<compile_context>
chip_gen: v7x
topology: tpu7x:2x2x1
jax: 0.10.2.dev20260603
libtpu: 0.0.44.dev20260713+nightly
codegen_flags: <defaults>
</compile_context>

<pallas_src>
import functools

import jax
import jax.numpy as jnp
import numpy as np
from jax import lax
from jax.experimental import pallas as pl
from jax.experimental.pallas import tpu as pltpu
from jax.experimental.pallas import tpu_sc as plsc

N = 10000
E = 320000
NC = 2
NS = 16
NW = NC * NS
CH = 128

E_P1 = E // NS
P1_ROWS = -(-E_P1 // CH)
P1_PAD = P1_ROWS * CH - E_P1

E_P2 = E // NW
P2_ROWS = -(-E_P2 // CH)
P2_PAD = P2_ROWS * CH - E_P2

DEGSZ = P2_ROWS * CH

_ar = np.arange(DEGSZ, dtype=np.float64)
LUT_NP = np.where(_ar > 0, 1.0 / np.sqrt(np.maximum(_ar, 1.0)), 0.0).astype(np.float32)
ZEROS_NP = np.zeros((DEGSZ,), np.float32)
ONES_NP = np.ones((P1_ROWS * CH,), np.float32)

NP = 10112
ZLEN = N * NP

EYE_BLK = 200
EYE_CHUNK = EYE_BLK * NP
ROW_SL = NP // 128
EYE_SL = EYE_BLK * ROW_SL


def _eye_body(o_ref):
    o_ref[...] = jnp.zeros((EYE_SL, 128), jnp.float32)


_eye_call = pl.pallas_call(
    _eye_body,
    grid=(N // EYE_BLK,),
    out_specs=pl.BlockSpec((EYE_SL, 128), lambda i: (i, 0)),
    out_shape=jax.ShapeDtypeStruct((ZLEN // 128, 128), jnp.float32),
)


def _depad_body(z_ref, o_ref):
    i = pl.program_id(0)
    r = lax.broadcasted_iota(jnp.int32, (EYE_BLK, N), 0) + i * EYE_BLK
    c = lax.broadcasted_iota(jnp.int32, (EYE_BLK, N), 1)
    eye = (r == c).astype(jnp.float32)
    o_ref[...] = z_ref[...].reshape(EYE_BLK, NP)[:, :N] + eye


_depad_call = pl.pallas_call(
    _depad_body,
    grid=(N // EYE_BLK,),
    in_specs=[pl.BlockSpec((EYE_BLK * (NP // 128), 128), lambda i: (i, 0))],
    out_specs=pl.BlockSpec((EYE_BLK, N), lambda i: (i, 0)),
    out_shape=jax.ShapeDtypeStruct((N, N), jnp.float32),
)

_sc_mesh = plsc.VectorSubcoreMesh(
    core_axis_name="c", subcore_axis_name="s", num_cores=NC, num_subcores=NS
)


@functools.partial(
    pl.kernel,
    out_type=(),
    mesh=_sc_mesh,
    compiler_params=pltpu.CompilerParams(needs_layout_passes=False),
    scratch_types=[
        pltpu.VMEM((P1_ROWS * CH,), jnp.int32),
        pltpu.VMEM((P1_ROWS * CH,), jnp.float32),
        pltpu.VMEM((DEGSZ,), jnp.float32),
        pltpu.VMEM((DEGSZ,), jnp.float32),
        pltpu.VMEM((P2_ROWS, CH), jnp.int32),
        pltpu.VMEM((P2_ROWS, CH), jnp.int32),
        pltpu.VMEM((P2_ROWS * CH,), jnp.int32),
        pltpu.VMEM((P2_ROWS * CH,), jnp.float32),
        pltpu.VMEM_SHARED((DEGSZ,), jnp.float32),
    ],
)
def _sc_call(out_hbm, r1_hbm, r2_hbm, c2_hbm, ones_hbm, zeros_hbm, lut_hbm,
             r1_v, ones_v, deg_v, lut_v, r2_v, c2_v, idx_v, val_v, deg_sh):
    cid = lax.axis_index("c")
    sid = lax.axis_index("s")
    wid = sid * NC + cid

    pltpu.sync_copy(r1_hbm.at[sid], r1_v)
    pltpu.sync_copy(ones_hbm, ones_v)
    pltpu.sync_copy(lut_hbm, lut_v)

    @pl.when(sid == 0)
    def _():
        pltpu.sync_copy(zeros_hbm, deg_v)
        pltpu.sync_copy(deg_v, deg_sh)

    plsc.subcore_barrier()

    pltpu.sync_copy(ones_v, deg_sh.at[r1_v], add=True)
    plsc.subcore_barrier()

    pltpu.sync_copy(deg_sh, deg_v)

    def _cvt(j, carry):
        sl = pl.ds(j * 16, 16)
        d = plsc.load_gather(lut_v, [deg_v[sl].astype(jnp.int32)])
        deg_v[sl] = d
        return carry

    lax.fori_loop(0, DEGSZ // 16, _cvt, 0)

    pltpu.sync_copy(r2_hbm.at[wid], r2_v)
    pltpu.sync_copy(c2_hbm.at[wid], c2_v)

    def _fill(j, carry):
        for k in range(CH // 16):
            sl = pl.ds(k * 16, 16)
            fl = pl.ds(j * CH + k * 16, 16)
            r = r2_v[j, sl]
            c = c2_v[j, sl]
            dr = plsc.load_gather(deg_v, [r])
            dc = plsc.load_gather(deg_v, [c])
            val = -(dr * dc)
            idx_v[fl] = r * NP + c
            val_v[fl] = val
        return carry

    lax.fori_loop(0, P2_ROWS, _fill, 0)

    pltpu.sync_copy(val_v, out_hbm.at[idx_v])


def kernel(x, A):
    del x
    row = A[0].astype(jnp.int32)
    col = A[1].astype(jnp.int32)

    r1 = row.reshape(NS, E_P1)
    r1 = jnp.concatenate(
        [r1, jnp.full((NS, P1_PAD), N, jnp.int32)], axis=1
    )

    r2 = row.reshape(NW, E_P2)
    c2 = col.reshape(NW, E_P2)
    r2 = jnp.concatenate(
        [r2, jnp.broadcast_to(r2[:, :1], (NW, P2_PAD))], axis=1
    ).reshape(NW, P2_ROWS, CH)
    c2 = jnp.concatenate(
        [c2, jnp.broadcast_to(c2[:, :1], (NW, P2_PAD))], axis=1
    ).reshape(NW, P2_ROWS, CH)

    out_ref = jax.new_ref(_eye_call().reshape(ZLEN))
    _sc_call(
        out_ref, r1, r2, c2,
        jnp.asarray(ONES_NP), jnp.asarray(ZEROS_NP), jnp.asarray(LUT_NP),
    )
    return _depad_call(out_ref[...].reshape(ZLEN // 128, 128))

# --- scband reference (transcript-rebuilt; emitter-appended) ---
"""Pipeline reference for scband-sparse-normalization-59356448031141 (READ-ONLY COPY).

The authoritative reference and input builder live on the scoring server;
editing this copy changes nothing except your own understanding.
"""

import jax, jax.numpy as jnp
import numpy as np

N_NODES = 10000
N_EDGES = 320000
D_FEAT = 128


def setup_inputs(seed: int = 0) -> dict:
    # Edges are generated without duplicates so that torch.unique / jnp.unique
    # keeps the count equal to E (the original torch code implicitly assumes
    # the index_add source length matches the unique-edge count).
    rng = np.random.default_rng(0)
    lin = rng.integers(0, N_NODES * N_NODES, size=3 * N_EDGES, dtype=np.int64)
    lin = np.unique(lin)
    lin = rng.permutation(lin)[:N_EDGES]
    row = lin // N_NODES
    col = lin % N_NODES
    A = jnp.asarray(np.stack([row, col]).astype(np.int64))
    key = jax.random.key(seed)
    x = jax.random.normal(key, (N_NODES, D_FEAT), dtype=jnp.float32)
    return {"x": x, "A": A}


def _degree(A, num_nodes):
    uniq, inv = jnp.unique(A, axis=1, return_inverse=True, size=A.shape[1])
    row_u = uniq[0]
    ones = jnp.ones_like(inv.reshape(-1))
    deg = jnp.zeros((num_nodes,), dtype=ones.dtype).at[row_u].add(ones)
    return deg


def reference(x, A):
    num_nodes = x.shape[0]
    row, col = A[0], A[1]
    deg = _degree(A, num_nodes)
    deg_inv_sqrt = deg.astype(jnp.float32) ** -0.5
    deg_inv_sqrt = jnp.where(jnp.isinf(deg_inv_sqrt), 0.0, deg_inv_sqrt)
    norm = deg_inv_sqrt[row] * deg_inv_sqrt[col]
    # laplacian = I - norm (sparse COO sums duplicate coords; .at[].add matches)
    laplacian = jnp.eye(num_nodes, dtype=norm.dtype).at[row, col].add(-norm)
    return laplacian

if __name__ == "__main__":
    import jax
    _d = setup_inputs()
    print(jax.jit(kernel)(*tuple(_d.values())))

</pallas_src>

<mosaic_0001>
#map = affine_map<(d0, d1) -> (0)>
#map1 = affine_map<(d0, d1) -> (0, 0)>
#map2 = affine_map<(d0, d1) -> (0, 0, 0)>
module attributes {stable_mosaic.version = 14 : i64} {
  func.func @new_body(%arg0: i32, %arg1: i32, %arg2: memref<101120000xf32, #tpu.memory_space<hbm>>, %arg3: memref<16x20096xi32, #tpu.memory_space<hbm>>, %arg4: memref<32x79x128xi32, #tpu.memory_space<hbm>>, %arg5: memref<32x79x128xi32, #tpu.memory_space<hbm>>, %arg6: memref<20096xf32, #tpu.memory_space<hbm>>, %arg7: memref<10112xf32, #tpu.memory_space<hbm>>, %arg8: memref<10112xf32, #tpu.memory_space<hbm>>, %arg9: memref<101120000xf32, #tpu.memory_space<hbm>>, %arg10: memref<20096xi32, #tpu.memory_space<vmem>>, %arg11: memref<20096xf32, #tpu.memory_space<vmem>>, %arg12: memref<10112xf32, #tpu.memory_space<vmem>>, %arg13: memref<10112xf32, #tpu.memory_space<vmem>>, %arg14: memref<79x128xi32, #tpu.memory_space<vmem>>, %arg15: memref<79x128xi32, #tpu.memory_space<vmem>>, %arg16: memref<10112xi32, #tpu.memory_space<vmem>>, %arg17: memref<10112xf32, #tpu.memory_space<vmem>>, %arg18: memref<10112xf32, #tpu.memory_space<vmem_shared>>) attributes {dimension_semantics = [#tpu.dimension_semantics<core_parallel>, #tpu.dimension_semantics<subcore_parallel>], iteration_bounds = array<i64: 2, 16>, scalar_prefetch = 0 : i64, scratch_operands = 9 : i64, tpu.core_type = #tpu.core_type<sc_vector_subcore>, window_params = [{transform_indices = #map}, {transform_indices = #map1}, {transform_indices = #map2}, {transform_indices = #map2}, {transform_indices = #map}, {transform_indices = #map}, {transform_indices = #map}, {transform_indices = #map}]} {
    %mul3A = arith.constant 2 : i32
    %mul3A_0 = arith.muli %arg1, %mul3A : i32
    %add3A = arith.addi %mul3A_0, %arg0 : i32
    "tpu.region"() ({
      %run_scoped3A = tpu.sem_alloc : memref<!tpu.dma_semaphore, #tpu.memory_space<semaphore_mem>>
      %dma_start3A = arith.constant 0 : i32
      %dma_start3A_15 = tpu.memref_slice %arg3[%arg1, %dma_start3A] : memref<16x20096xi32, #tpu.memory_space<hbm>> -> memref<1x20096xi32, #tpu.memory_space<hbm>>
      %dma_start3A_16 = tpu.memref_squeeze %dma_start3A_15 : memref<1x20096xi32, #tpu.memory_space<hbm>> -> memref<20096xi32, #tpu.memory_space<hbm>>
      %dma_start3A_17 = arith.constant 0 : i32
      %dma_start3A_18 = tpu.memref_slice %arg3[%arg1, %dma_start3A_17] : memref<16x20096xi32, #tpu.memory_space<hbm>> -> memref<1x20096xi32, #tpu.memory_space<hbm>>
      %dma_start3A_19 = tpu.memref_squeeze %dma_start3A_18 : memref<1x20096xi32, #tpu.memory_space<hbm>> -> memref<20096xi32, #tpu.memory_space<hbm>>
      tpu.enqueue_dma source(%dma_start3A_19 : memref<20096xi32, #tpu.memory_space<hbm>>) target(%arg10 : memref<20096xi32, #tpu.memory_space<vmem>>) target_semaphore(%run_scoped3A : memref<!tpu.dma_semaphore, #tpu.memory_space<semaphore_mem>>)
      %dma_wait3A = arith.constant 0 : i32
      %dma_wait3A_20 = tpu.memref_slice %arg3[%arg1, %dma_wait3A] : memref<16x20096xi32, #tpu.memory_space<hbm>> -> memref<1x20096xi32, #tpu.memory_space<hbm>>
      %dma_wait3A_21 = tpu.memref_squeeze %dma_wait3A_20 : memref<1x20096xi32, #tpu.memory_space<hbm>> -> memref<20096xi32, #tpu.memory_space<hbm>>
      %dma_wait3A_22 = arith.constant 0 : i32
      %dma_wait3A_23 = tpu.memref_slice %arg3[%arg1, %dma_wait3A_22] : memref<16x20096xi32, #tpu.memory_space<hbm>> -> memref<1x20096xi32, #tpu.memory_space<hbm>>
      %dma_wait3A_24 = tpu.memref_squeeze %dma_wait3A_23 : memref<1x20096xi32, #tpu.memory_space<hbm>> -> memref<20096xi32, #tpu.memory_space<hbm>>
      tpu.wait_dma2 semaphore(%run_scoped3A : memref<!tpu.dma_semaphore, #tpu.memory_space<semaphore_mem>>) src(%dma_wait3A_24 : memref<20096xi32, #tpu.memory_space<hbm>>) dst(%arg10 : memref<20096xi32, #tpu.memory_space<vmem>>)
      tpu.yield
    }) : () -> ()
    "tpu.region"() ({
      %run_scoped3A = tpu.sem_alloc : memref<!tpu.dma_semaphore, #tpu.memory_space<semaphore_mem>>
      tpu.enqueue_dma source(%arg6 : memref<20096xf32, #tpu.memory_space<hbm>>) target(%arg11 : memref<20096xf32, #tpu.memory_space<vmem>>) target_semaphore(%run_scoped3A : memref<!tpu.dma_semaphore, #tpu.memory_space<semaphore_mem>>)
      tpu.wait_dma2 semaphore(%run_scoped3A : memref<!tpu.dma_semaphore, #tpu.memory_space<semaphore_mem>>) src(%arg6 : memref<20096xf32, #tpu.memory_space<hbm>>) dst(%arg11 : memref<20096xf32, #tpu.memory_space<vmem>>)
      tpu.yield
    }) : () -> ()
    "tpu.region"() ({
      %run_scoped3A = tpu.sem_alloc : memref<!tpu.dma_semaphore, #tpu.memory_space<semaphore_mem>>
      tpu.enqueue_dma source(%arg8 : memref<10112xf32, #tpu.memory_space<hbm>>) target(%arg13 : memref<10112xf32, #tpu.memory_space<vmem>>) target_semaphore(%run_scoped3A : memref<!tpu.dma_semaphore, #tpu.memory_space<semaphore_mem>>)
      tpu.wait_dma2 semaphore(%run_scoped3A : memref<!tpu.dma_semaphore, #tpu.memory_space<semaphore_mem>>) src(%arg8 : memref<10112xf32, #tpu.memory_space<hbm>>) dst(%arg13 : memref<10112xf32, #tpu.memory_space<vmem>>)
      tpu.yield
    }) : () -> ()
    %eq3A = arith.constant 0 : i32
    %eq3A_1 = arith.cmpi eq, %arg1, %eq3A : i32
    %convert_element_type3A = arith.extui %eq3A_1 : i1 to i32
    %cond3A = arith.constant 0 : i32
    %cond3A_2 = arith.cmpi ne, %convert_element_type3A, %cond3A : i32
    scf.if %cond3A_2 {
      "tpu.region"() ({
        %run_scoped3A = tpu.sem_alloc : memref<!tpu.dma_semaphore, #tpu.memory_space<semaphore_mem>>
        tpu.enqueue_dma source(%arg7 : memref<10112xf32, #tpu.memory_space<hbm>>) target(%arg12 : memref<10112xf32, #tpu.memory_space<vmem>>) target_semaphore(%run_scoped3A : memref<!tpu.dma_semaphore, #tpu.memory_space<semaphore_mem>>)
        tpu.wait_dma2 semaphore(%run_scoped3A : memref<!tpu.dma_semaphore, #tpu.memory_space<semaphore_mem>>) src(%arg7 : memref<10112xf32, #tpu.memory_space<hbm>>) dst(%arg12 : memref<10112xf32, #tpu.memory_space<vmem>>)
        tpu.yield
      }) : () -> ()
      "tpu.region"() ({
        %run_scoped3A = tpu.sem_alloc : memref<!tpu.dma_semaphore, #tpu.memory_space<semaphore_mem>>
        tpu.enqueue_dma source(%arg12 : memref<10112xf32, #tpu.memory_space<vmem>>) target(%arg18 : memref<10112xf32, #tpu.memory_space<vmem_shared>>) target_semaphore(%run_scoped3A : memref<!tpu.dma_semaphore, #tpu.memory_space<semaphore_mem>>)
        tpu.wait_dma2 semaphore(%run_scoped3A : memref<!tpu.dma_semaphore, #tpu.memory_space<semaphore_mem>>) src(%arg12 : memref<10112xf32, #tpu.memory_space<vmem>>) dst(%arg18 : memref<10112xf32, #tpu.memory_space<vmem_shared>>)
        tpu.yield
      }) : () -> ()
    } else {
    }
    %barrier3A = arith.constant 0 : index
    tpu.barrier barrier_id(%barrier3A)
    "tpu.region"() ({
      %run_scoped3A = tpu.sem_alloc : memref<!tpu.dma_semaphore, #tpu.memory_space<semaphore_mem>>
      %dma_start3A = arith.constant 0 : i32
      %dma_start3A_15 = tpu.memref_slice %arg18[%dma_start3A] : memref<10112xf32, #tpu.memory_space<vmem_shared>> -> memref<10112xf32, #tpu.memory_space<vmem_shared>>
      tpu.enqueue_indirect_dma source(%arg11 : memref<20096xf32, #tpu.memory_space<vmem>>) target(%dma_start3A_15 : memref<10112xf32, #tpu.memory_space<vmem_shared>>) offsets(%arg10 : memref<20096xi32, #tpu.memory_space<vmem>>) semaphore(%run_scoped3A : memref<!tpu.dma_semaphore, #tpu.memory_space<semaphore_mem>>) {add = true}
      %dma_wait3A = arith.constant 0 : i32
      %dma_wait3A_16 = tpu.memref_slice %arg18[%dma_wait3A] : memref<10112xf32, #tpu.memory_space<vmem_shared>> -> memref<10112xf32, #tpu.memory_space<vmem_shared>>
      tpu.wait_indirect_dma semaphore(%run_scoped3A : memref<!tpu.dma_semaphore, #tpu.memory_space<semaphore_mem>>) src(%arg11 : memref<20096xf32, #tpu.memory_space<vmem>>) dst(%dma_wait3A_16 : memref<10112xf32, #tpu.memory_space<vmem_shared>>)
      tpu.yield
    }) : () -> ()
    %barrier3A_3 = arith.constant 0 : index
    tpu.barrier barrier_id(%barrier3A_3)
    "tpu.region"() ({
      %run_scoped3A = tpu.sem_alloc : memref<!tpu.dma_semaphore, #tpu.memory_space<semaphore_mem>>
      tpu.enqueue_dma source(%arg18 : memref<10112xf32, #tpu.memory_space<vmem_shared>>) target(%arg12 : memref<10112xf32, #tpu.memory_space<vmem>>) target_semaphore(%run_scoped3A : memref<!tpu.dma_semaphore, #tpu.memory_space<semaphore_mem>>)
      tpu.wait_dma2 semaphore(%run_scoped3A : memref<!tpu.dma_semaphore, #tpu.memory_space<semaphore_mem>>) src(%arg18 : memref<10112xf32, #tpu.memory_space<vmem_shared>>) dst(%arg12 : memref<10112xf32, #tpu.memory_space<vmem>>)
      tpu.yield
    }) : () -> ()
    %scan3A = arith.constant 0 : i32
    %scan3A_4 = arith.constant 0 : i32
    %scan3A_5 = arith.constant 632 : i32
    %scan3A_6 = arith.addi %scan3A_4, %scan3A_5 : i32
    %scan3A_7 = arith.constant 1 : i32
    scf.for %scan3A_15 = %scan3A_4 to %scan3A_6 step %scan3A_7  : i32 {
      %mul3A_16 = arith.constant 16 : i32
      %mul3A_17 = arith.muli %scan3A_15, %mul3A_16 : i32
      %get3A = arith.index_cast %mul3A_17 : i32 to index
      %get3A_18 = tpu.vector_load %arg12[%get3A] {strides = array<i32>} : memref<10112xf32, #tpu.memory_space<vmem>>, vector<16xf32>,
      %convert_element_type3A_19 = arith.fptosi %get3A_18 : vector<16xf32> to vector<16xi32>
      %gather3A = tpu.vector_load_idx %arg13[%convert_element_type3A_19] : memref<10112xf32, #tpu.memory_space<vmem>>[vector<16xi32>], vector<16xf32>,
      %swap3A = arith.index_cast %mul3A_17 : i32 to index
      %swap3A_20 = tpu.vector_load %arg12[%swap3A] {strides = array<i32>} : memref<10112xf32, #tpu.memory_space<vmem>>, vector<16xf32>,
      tpu.vector_store %arg12[%swap3A], %gather3A {strides = array<i32>} : memref<10112xf32, #tpu.memory_space<vmem>>, vector<16xf32>,
    }
    %scan3A_8 = arith.constant 632 : i32
    "tpu.region"() ({
      %run_scoped3A = tpu.sem_alloc : memref<!tpu.dma_semaphore, #tpu.memory_space<semaphore_mem>>
      %dma_start3A = arith.constant 0 : i32
      %dma_start3A_15 = arith.constant 0 : i32
      %dma_start3A_16 = tpu.memref_slice %arg4[%add3A, %dma_start3A, %dma_start3A_15] : memref<32x79x128xi32, #tpu.memory_space<hbm>> -> memref<1x79x128xi32, #tpu.memory_space<hbm>>
      %dma_start3A_17 = tpu.memref_squeeze %dma_start3A_16 : memref<1x79x128xi32, #tpu.memory_space<hbm>> -> memref<79x128xi32, #tpu.memory_space<hbm>>
      %dma_start3A_18 = arith.constant 0 : i32
      %dma_start3A_19 = arith.constant 0 : i32
      %dma_start3A_20 = tpu.memref_slice %arg4[%add3A, %dma_start3A_18, %dma_start3A_19] : memref<32x79x128xi32, #tpu.memory_space<hbm>> -> memref<1x79x128xi32, #tpu.memory_space<hbm>>
      %dma_start3A_21 = tpu.memref_squeeze %dma_start3A_20 : memref<1x79x128xi32, #tpu.memory_space<hbm>> -> memref<79x128xi32, #tpu.memory_space<hbm>>
      tpu.enqueue_dma source(%dma_start3A_21 : memref<79x128xi32, #tpu.memory_space<hbm>>) target(%arg14 : memref<79x128xi32, #tpu.memory_space<vmem>>) target_semaphore(%run_scoped3A : memref<!tpu.dma_semaphore, #tpu.memory_space<semaphore_mem>>)
      %dma_wait3A = arith.constant 0 : i32
      %dma_wait3A_22 = arith.constant 0 : i32
      %dma_wait3A_23 = tpu.memref_slice %arg4[%add3A, %dma_wait3A, %dma_wait3A_22] : memref<32x79x128xi32, #tpu.memory_space<hbm>> -> memref<1x79x128xi32, #tpu.memory_space<hbm>>
      %dma_wait3A_24 = tpu.memref_squeeze %dma_wait3A_23 : memref<1x79x128xi32, #tpu.memory_space<hbm>> -> memref<79x128xi32, #tpu.memory_space<hbm>>
      %dma_wait3A_25 = arith.constant 0 : i32
      %dma_wait3A_26 = arith.constant 0 : i32
      %dma_wait3A_27 = tpu.memref_slice %arg4[%add3A, %dma_wait3A_25, %dma_wait3A_26] : memref<32x79x128xi32, #tpu.memory_space<hbm>> -> memref<1x79x128xi32, #tpu.memory_space<hbm>>
      %dma_wait3A_28 = tpu.memref_squeeze %dma_wait3A_27 : memref<1x79x128xi32, #tpu.memory_space<hbm>> -> memref<79x128xi32, #tpu.memory_space<hbm>>
      tpu.wait_dma2 semaphore(%run_scoped3A : memref<!tpu.dma_semaphore, #tpu.memory_space<semaphore_mem>>) src(%dma_wait3A_28 : memref<79x128xi32, #tpu.memory_space<hbm>>) dst(%arg14 : memref<79x128xi32, #tpu.memory_space<vmem>>)
      tpu.yield
    }) : () -> ()
    "tpu.region"() ({
      %run_scoped3A = tpu.sem_alloc : memref<!tpu.dma_semaphore, #tpu.memory_space<semaphore_mem>>
      %dma_start3A = arith.constant 0 : i32
      %dma_start3A_15 = arith.constant 0 : i32
      %dma_start3A_16 = tpu.memref_slice %arg5[%add3A, %dma_start3A, %dma_start3A_15] : memref<32x79x128xi32, #tpu.memory_space<hbm>> -> memref<1x79x128xi32, #tpu.memory_space<hbm>>
      %dma_start3A_17 = tpu.memref_squeeze %dma_start3A_16 : memref<1x79x128xi32, #tpu.memory_space<hbm>> -> memref<79x128xi32, #tpu.memory_space<hbm>>
      %dma_start3A_18 = arith.constant 0 : i32
      %dma_start3A_19 = arith.constant 0 : i32
      %dma_start3A_20 = tpu.memref_slice %arg5[%add3A, %dma_start3A_18, %dma_start3A_19] : memref<32x79x128xi32, #tpu.memory_space<hbm>> -> memref<1x79x128xi32, #tpu.memory_space<hbm>>
      %dma_start3A_21 = tpu.memref_squeeze %dma_start3A_20 : memref<1x79x128xi32, #tpu.memory_space<hbm>> -> memref<79x128xi32, #tpu.memory_space<hbm>>
      tpu.enqueue_dma source(%dma_start3A_21 : memref<79x128xi32, #tpu.memory_space<hbm>>) target(%arg15 : memref<79x128xi32, #tpu.memory_space<vmem>>) target_semaphore(%run_scoped3A : memref<!tpu.dma_semaphore, #tpu.memory_space<semaphore_mem>>)
      %dma_wait3A = arith.constant 0 : i32
      %dma_wait3A_22 = arith.constant 0 : i32
      %dma_wait3A_23 = tpu.memref_slice %arg5[%add3A, %dma_wait3A, %dma_wait3A_22] : memref<32x79x128xi32, #tpu.memory_space<hbm>> -> memref<1x79x128xi32, #tpu.memory_space<hbm>>
      %dma_wait3A_24 = tpu.memref_squeeze %dma_wait3A_23 : memref<1x79x128xi32, #tpu.memory_space<hbm>> -> memref<79x128xi32, #tpu.memory_space<hbm>>
      %dma_wait3A_25 = arith.constant 0 : i32
      %dma_wait3A_26 = arith.constant 0 : i32
      %dma_wait3A_27 = tpu.memref_slice %arg5[%add3A, %dma_wait3A_25, %dma_wait3A_26] : memref<32x79x128xi32, #tpu.memory_space<hbm>> -> memref<1x79x128xi32, #tpu.memory_space<hbm>>
      %dma_wait3A_28 = tpu.memref_squeeze %dma_wait3A_27 : memref<1x79x128xi32, #tpu.memory_space<hbm>> -> memref<79x128xi32, #tpu.memory_space<hbm>>
      tpu.wait_dma2 semaphore(%run_scoped3A : memref<!tpu.dma_semaphore, #tpu.memory_space<semaphore_mem>>) src(%dma_wait3A_28 : memref<79x128xi32, #tpu.memory_space<hbm>>) dst(%arg15 : memref<79x128xi32, #tpu.memory_space<vmem>>)
      tpu.yield
    }) : () -> ()
    %scan3A_9 = arith.constant 0 : i32
    %scan3A_10 = arith.constant 0 : i32
    %scan3A_11 = arith.constant 79 : i32
    %scan3A_12 = arith.addi %scan3A_10, %scan3A_11 : i32
    %scan3A_13 = arith.constant 1 : i32
    scf.for %scan3A_15 = %scan3A_10 to %scan3A_12 step %scan3A_13  : i32 {
      %mul3A_16 = arith.constant 128 : i32
      %mul3A_17 = arith.muli %scan3A_15, %mul3A_16 : i32
      %add3A_18 = arith.constant 0 : i32
      %add3A_19 = arith.addi %mul3A_17, %add3A_18 : i32
      %get3A = arith.index_cast %scan3A_15 : i32 to index
      %get3A_20 = arith.constant 0 : index
      %get3A_21 = tpu.vector_load %arg14[%get3A, %get3A_20] {strides = array<i32>} : memref<79x128xi32, #tpu.memory_space<vmem>>, vector<16xi32>,
      %get3A_22 = arith.index_cast %scan3A_15 : i32 to index
      %get3A_23 = arith.constant 0 : index
      %get3A_24 = tpu.vector_load %arg15[%get3A_22, %get3A_23] {strides = array<i32>} : memref<79x128xi32, #tpu.memory_space<vmem>>, vector<16xi32>,
      %gather3A = tpu.vector_load_idx %arg12[%get3A_21] : memref<10112xf32, #tpu.memory_space<vmem>>[vector<16xi32>], vector<16xf32>,
      %gather3A_25 = tpu.vector_load_idx %arg12[%get3A_24] : memref<10112xf32, #tpu.memory_space<vmem>>[vector<16xi32>], vector<16xf32>,
      %mul3A_26 = arith.mulf %gather3A, %gather3A_25 : vector<16xf32>
      %neg3A = arith.constant 0.000000e+00 : f32
      %neg3A_27 = vector.broadcast %neg3A : f32 to vector<16xf32>
      %neg3A_28 = arith.subf %neg3A_27, %mul3A_26 : vector<16xf32>
      %mul3A_29 = arith.constant 10112 : i32
      %mul3A_30 = vector.broadcast %mul3A_29 : i32 to vector<16xi32>
      %mul3A_31 = arith.muli %get3A_21, %mul3A_30 : vector<16xi32>
      %add3A_32 = arith.addi %mul3A_31, %get3A_24 : vector<16xi32>
      %swap3A = arith.index_cast %add3A_19 : i32 to index
      %swap3A_33 = tpu.vector_load %arg16[%swap3A] {strides = array<i32>} : memref<10112xi32, #tpu.memory_space<vmem>>, vector<16xi32>,
      tpu.vector_store %arg16[%swap3A], %add3A_32 {strides = array<i32>} : memref<10112xi32, #tpu.memory_space<vmem>>, vector<16xi32>,
      %swap3A_34 = arith.index_cast %add3A_19 : i32 to index
      %swap3A_35 = tpu.vector_load %arg17[%swap3A_34] {strides = array<i32>} : memref<10112xf32, #tpu.memory_space<vmem>>, vector<16xf32>,
      tpu.vector_store %arg17[%swap3A_34], %neg3A_28 {strides = array<i32>} : memref<10112xf32, #tpu.memory_space<vmem>>, vector<16xf32>,
      %mul3A_36 = arith.constant 128 : i32
      %mul3A_37 = arith.muli %scan3A_15, %mul3A_36 : i32
      %add3A_38 = arith.constant 16 : i32
      %add3A_39 = arith.addi %mul3A_37, %add3A_38 : i32
      %get3A_40 = arith.index_cast %scan3A_15 : i32 to index
      %get3A_41 = arith.constant 16 : index
      %get3A_42 = tpu.vector_load %arg14[%get3A_40, %get3A_41] {strides = array<i32>} : memref<79x128xi32, #tpu.memory_space<vmem>>, vector<16xi32>,
      %get3A_43 = arith.index_cast %scan3A_15 : i32 to index
      %get3A_44 = arith.constant 16 : index
      %get3A_45 = tpu.vector_load %arg15[%get3A_43, %get3A_44] {strides = array<i32>} : memref<79x128xi32, #tpu.memory_space<vmem>>, vector<16xi32>,
      %gather3A_46 = tpu.vector_load_idx %arg12[%get3A_42] : memref<10112xf32, #tpu.memory_space<vmem>>[vector<16xi32>], vector<16xf32>,
      %gather3A_47 = tpu.vector_load_idx %arg12[%get3A_45] : memref<10112xf32, #tpu.memory_space<vmem>>[vector<16xi32>], vector<16xf32>,
      %mul3A_48 = arith.mulf %gather3A_46, %gather3A_47 : vector<16xf32>
      %neg3A_49 = arith.constant 0.000000e+00 : f32
      %neg3A_50 = vector.broadcast %neg3A_49 : f32 to vector<16xf32>
      %neg3A_51 = arith.subf %neg3A_50, %mul3A_48 : vector<16xf32>
      %mul3A_52 = arith.constant 10112 : i32
      %mul3A_53 = vector.broadcast %mul3A_52 : i32 to vector<16xi32>
      %mul3A_54 = arith.muli %get3A_42, %mul3A_53 : vector<16xi32>
      %add3A_55 = arith.addi %mul3A_54, %get3A_45 : vector<16xi32>
      %swap3A_56 = arith.index_cast %add3A_39 : i32 to index
      %swap3A_57 = tpu.vector_load %arg16[%swap3A_56] {strides = array<i32>} : memref<10112xi32, #tpu.memory_space<vmem>>, vector<16xi32>,
      tpu.vector_store %arg16[%swap3A_56], %add3A_55 {strides = array<i32>} : memref<10112xi32, #tpu.memory_space<vmem>>, vector<16xi32>,
      %swap3A_58 = arith.index_cast %add3A_39 : i32 to index
      %swap3A_59 = tpu.vector_load %arg17[%swap3A_58] {strides = array<i32>} : memref<10112xf32, #tpu.memory_space<vmem>>, vector<16xf32>,
      tpu.vector_store %arg17[%swap3A_58], %neg3A_51 {strides = array<i32>} : memref<10112xf32, #tpu.memory_space<vmem>>, vector<16xf32>,
      %mul3A_60 = arith.constant 128 : i32
      %mul3A_61 = arith.muli %scan3A_15, %mul3A_60 : i32
      %add3A_62 = arith.constant 32 : i32
      %add3A_63 = arith.addi %mul3A_61, %add3A_62 : i32
      %get3A_64 = arith.index_cast %scan3A_15 : i32 to index
      %get3A_65 = arith.constant 32 : index
      %get3A_66 = tpu.vector_load %arg14[%get3A_64, %get3A_65] {strides = array<i32>} : memref<79x128xi32, #tpu.memory_space<vmem>>, vector<16xi32>,
      %get3A_67 = arith.index_cast %scan3A_15 : i32 to index
      %get3A_68 = arith.constant 32 : index
      %get3A_69 = tpu.vector_load %arg15[%get3A_67, %get3A_68] {strides = array<i32>} : memref<79x128xi32, #tpu.memory_space<vmem>>, vector<16xi32>,
      %gather3A_70 = tpu.vector_load_idx %arg12[%get3A_66] : memref<10112xf32, #tpu.memory_space<vmem>>[vector<16xi32>], vector<16xf32>,
      %gather3A_71 = tpu.vector_load_idx %arg12[%get3A_69] : memref<10112xf32, #tpu.memory_space<vmem>>[vector<16xi32>], vector<16xf32>,
      %mul3A_72 = arith.mulf %gather3A_70, %gather3A_71 : vector<16xf32>
      %neg3A_73 = arith.constant 0.000000e+00 : f32
      %neg3A_74 = vector.broadcast %neg3A_73 : f32 to vector<16xf32>
      %neg3A_75 = arith.subf %neg3A_74, %mul3A_72 : vector<16xf32>
      %mul3A_76 = arith.constant 10112 : i32
      %mul3A_77 = vector.broadcast %mul3A_76 : i32 to vector<16xi32>
      %mul3A_78 = arith.muli %get3A_66, %mul3A_77 : vector<16xi32>
      %add3A_79 = arith.addi %mul3A_78, %get3A_69 : vector<16xi32>
      %swap3A_80 = arith.index_cast %add3A_63 : i32 to index
      %swap3A_81 = tpu.vector_load %arg16[%swap3A_80] {strides = array<i32>} : memref<10112xi32, #tpu.memory_space<vmem>>, vector<16xi32>,
      tpu.vector_store %arg16[%swap3A_80], %add3A_79 {strides = array<i32>} : memref<10112xi32, #tpu.memory_space<vmem>>, vector<16xi32>,
      %swap3A_82 = arith.index_cast %add3A_63 : i32 to index
      %swap3A_83 = tpu.vector_load %arg17[%swap3A_82] {strides = array<i32>} : memref<10112xf32, #tpu.memory_space<vmem>>, vector<16xf32>,
      tpu.vector_store %arg17[%swap3A_82], %neg3A_75 {strides = array<i32>} : memref<10112xf32, #tpu.memory_space<vmem>>, vector<16xf32>,
      %mul3A_84 = arith.constant 128 : i32
      %mul3A_85 = arith.muli %scan3A_15, %mul3A_84 : i32
      %add3A_86 = arith.constant 48 : i32
      %add3A_87 = arith.addi %mul3A_85, %add3A_86 : i32
      %get3A_88 = arith.index_cast %scan3A_15 : i32 to index
      %get3A_89 = arith.constant 48 : index
      %get3A_90 = tpu.vector_load %arg14[%get3A_88, %get3A_89] {strides = array<i32>} : memref<79x128xi32, #tpu.memory_space<vmem>>, vector<16xi32>,
      %get3A_91 = arith.index_cast %scan3A_15 : i32 to index
      %get3A_92 = arith.constant 48 : index
      %get3A_93 = tpu.vector_load %arg15[%get3A_91, %get3A_92] {strides = array<i32>} : memref<79x128xi32, #tpu.memory_space<vmem>>, vector<16xi32>,
      %gather3A_94 = tpu.vector_load_idx %arg12[%get3A_90] : memref<10112xf32, #tpu.memory_space<vmem>>[vector<16xi32>], vector<16xf32>,
      %gather3A_95 = tpu.vector_load_idx %arg12[%get3A_93] : memref<10112xf32, #tpu.memory_space<vmem>>[vector<16xi32>], vector<16xf32>,
      %mul3A_96 = arith.mulf %gather3A_94, %gather3A_95 : vector<16xf32>
      %neg3A_97 = arith.constant 0.000000e+00 : f32
      %neg3A_98 = vector.broadcast %neg3A_97 : f32 to vector<16xf32>
      %neg3A_99 = arith.subf %neg3A_98, %mul3A_96 : vector<16xf32>
      %mul3A_100 = arith.constant 10112 : i32
      %mul3A_101 = vector.broadcast %mul3A_100 : i32 to vector<16xi32>
      %mul3A_102 = arith.muli %get3A_90, %mul3A_101 : vector<16xi32>
      %add3A_103 = arith.addi %mul3A_102, %get3A_93 : vector<16xi32>
      %swap3A_104 = arith.index_cast %add3A_87 : i32 to index
      %swap3A_105 = tpu.vector_load %arg16[%swap3A_104] {strides = array<i32>} : memref<10112xi32, #tpu.memory_space<vmem>>, vector<16xi32>,
      tpu.vector_store %arg16[%swap3A_104], %add3A_103 {strides = array<i32>} : memref<10112xi32, #tpu.memory_space<vmem>>, vector<16xi32>,
      %swap3A_106 = arith.index_cast %add3A_87 : i32 to index
      %swap3A_107 = tpu.vector_load %arg17[%swap3A_106] {strides = array<i32>} : memref<10112xf32, #tpu.memory_space<vmem>>, vector<16xf32>,
      tpu.vector_store %arg17[%swap3A_106], %neg3A_99 {strides = array<i32>} : memref<10112xf32, #tpu.memory_space<vmem>>, vector<16xf32>,
      %mul3A_108 = arith.constant 128 : i32
      %mul3A_109 = arith.muli %scan3A_15, %mul3A_108 : i32
      %add3A_110 = arith.constant 64 : i32
      %add3A_111 = arith.addi %mul3A_109, %add3A_110 : i32
      %get3A_112 = arith.index_cast %scan3A_15 : i32 to index
      %get3A_113 = arith.constant 64 : index
      %get3A_114 = tpu.vector_load %arg14[%get3A_112, %get3A_113] {strides = array<i32>} : memref<79x128xi32, #tpu.memory_space<vmem>>, vector<16xi32>,
      %get3A_115 = arith.index_cast %scan3A_15 : i32 to index
      %get3A_116 = arith.constant 64 : index
      %get3A_117 = tpu.vector_load %arg15[%get3A_115, %get3A_116] {strides = array<i32>} : memref<79x128xi32, #tpu.memory_space<vmem>>, vector<16xi32>,
      %gather3A_118 = tpu.vector_load_idx %arg12[%get3A_114] : memref<10112xf32, #tpu.memory_space<vmem>>[vector<16xi32>], vector<16xf32>,
      %gather3A_119 = tpu.vector_load_idx %arg12[%get3A_117] : memref<10112xf32, #tpu.memory_space<vmem>>[vector<16xi32>], vector<16xf32>,
      %mul3A_120 = arith.mulf %gather3A_118, %gather3A_119 : vector<16xf32>
      %neg3A_121 = arith.constant 0.000000e+00 : f32
      %neg3A_122 = vector.broadcast %neg3A_121 : f32 to vector<16xf32>
      %neg3A_123 = arith.subf %neg3A_122, %mul3A_120 : vector<16xf32>
      %mul3A_124 = arith.constant 10112 : i32
      %mul3A_125 = vector.broadcast %mul3A_124 : i32 to vector<16xi32>
      %mul3A_126 = arith.muli %get3A_114, %mul3A_125 : vector<16xi32>
      %add3A_127 = arith.addi %mul3A_126, %get3A_117 : vector<16xi32>
      %swap3A_128 = arith.index_cast %add3A_111 : i32 to index
      %swap3A_129 = tpu.vector_load %arg16[%swap3A_128] {strides = array<i32>} : memref<10112xi32, #tpu.memory_space<vmem>>, vector<16xi32>,
      tpu.vector_store %arg16[%swap3A_128], %add3A_127 {strides = array<i32>} : memref<10112xi32, #tpu.memory_space<vmem>>, vector<16xi32>,
      %swap3A_130 = arith.index_cast %add3A_111 : i32 to index
      %swap3A_131 = tpu.vector_load %arg17[%swap3A_130] {strides = array<i32>} : memref<10112xf32, #tpu.memory_space<vmem>>, vector<16xf32>,
      tpu.vector_store %arg17[%swap3A_130], %neg3A_123 {strides = array<i32>} : memref<10112xf32, #tpu.memory_space<vmem>>, vector<16xf32>,
      %mul3A_132 = arith.constant 128 : i32
      %mul3A_133 = arith.muli %scan3A_15, %mul3A_132 : i32
      %add3A_134 = arith.constant 80 : i32
      %add3A_135 = arith.addi %mul3A_133, %add3A_134 : i32
      %get3A_136 = arith.index_cast %scan3A_15 : i32 to index
      %get3A_137 = arith.constant 80 : index
      %get3A_138 = tpu.vector_load %arg14[%get3A_136, %get3A_137] {strides = array<i32>} : memref<79x128xi32, #tpu.memory_space<vmem>>, vector<16xi32>,
      %get3A_139 = arith.index_cast %scan3A_15 : i32 to index
      %get3A_140 = arith.constant 80 : index
      %get3A_141 = tpu.vector_load %arg15[%get3A_139, %get3A_140] {strides = array<i32>} : memref<79x128xi32, #tpu.memory_space<vmem>>, vector<16xi32>,
      %gather3A_142 = tpu.vector_load_idx %arg12[%get3A_138] : memref<10112xf32, #tpu.memory_space<vmem>>[vector<16xi32>], vector<16xf32>,
      %gather3A_143 = tpu.vector_load_idx %arg12[%get3A_141] : memref<10112xf32, #tpu.memory_space<vmem>>[vector<16xi32>], vector<16xf32>,
      %mul3A_144 = arith.mulf %gather3A_142, %gather3A_143 : vector<16xf32>
      %neg3A_145 = arith.constant 0.000000e+00 : f32
      %neg3A_146 = vector.broadcast %neg3A_145 : f32 to vector<16xf32>
      %neg3A_147 = arith.subf %neg3A_146, %mul3A_144 : vector<16xf32>
      %mul3A_148 = arith.constant 10112 : i32
      %mul3A_149 = vector.broadcast %mul3A_148 : i32 to vector<16xi32>
      %mul3A_150 = arith.muli %get3A_138, %mul3A_149 : vector<16xi32>
      %add3A_151 = arith.addi %mul3A_150, %get3A_141 : vector<16xi32>
      %swap3A_152 = arith.index_cast %add3A_135 : i32 to index
      %swap3A_153 = tpu.vector_load %arg16[%swap3A_152] {strides = array<i32>} : memref<10112xi32, #tpu.memory_space<vmem>>, vector<16xi32>,
      tpu.vector_store %arg16[%swap3A_152], %add3A_151 {strides = array<i32>} : memref<10112xi32, #tpu.memory_space<vmem>>, vector<16xi32>,
      %swap3A_154 = arith.index_cast %add3A_135 : i32 to index
      %swap3A_155 = tpu.vector_load %arg17[%swap3A_154] {strides = array<i32>} : memref<10112xf32, #tpu.memory_space<vmem>>, vector<16xf32>,
      tpu.vector_store %arg17[%swap3A_154], %neg3A_147 {strides = array<i32>} : memref<10112xf32, #tpu.memory_space<vmem>>, vector<16xf32>,
      %mul3A_156 = arith.constant 128 : i32
      %mul3A_157 = arith.muli %scan3A_15, %mul3A_156 : i32
      %add3A_158 = arith.constant 96 : i32
      %add3A_159 = arith.addi %mul3A_157, %add3A_158 : i32
      %get3A_160 = arith.index_cast %scan3A_15 : i32 to index
      %get3A_161 = arith.constant 96 : index
      %get3A_162 = tpu.vector_load %arg14[%get3A_160, %get3A_161] {strides = array<i32>} : memref<79x128xi32, #tpu.memory_space<vmem>>, vector<16xi32>,
      %get3A_163 = arith.index_cast %scan3A_15 : i32 to index
      %get3A_164 = arith.constant 96 : index
      %get3A_165 = tpu.vector_load %arg15[%get3A_163, %get3A_164] {strides = array<i32>} : memref<79x128xi32, #tpu.memory_space<vmem>>, vector<16xi32>,
      %gather3A_166 = tpu.vector_load_idx %arg12[%get3A_162] : memref<10112xf32, #tpu.memory_space<vmem>>[vector<16xi32>], vector<16xf32>,
      %gather3A_167 = tpu.vector_load_idx %arg12[%get3A_165] : memref<10112xf32, #tpu.memory_space<vmem>>[vector<16xi32>], vector<16xf32>,
      %mul3A_168 = arith.mulf %gather3A_166, %gather3A_167 : vector<16xf32>
      %neg3A_169 = arith.constant 0.000000e+00 : f32
      %neg3A_170 = vector.broadcast %neg3A_169 : f32 to vector<16xf32>
      %neg3A_171 = arith.subf %neg3A_170, %mul3A_168 : vector<16xf32>
      %mul3A_172 = arith.constant 10112 : i32
      %mul3A_173 = vector.broadcast %mul3A_172 : i32 to vector<16xi32>
      %mul3A_174 = arith.muli %get3A_162, %mul3A_173 : vector<16xi32>
      %add3A_175 = arith.addi %mul3A_174, %get3A_165 : vector<16xi32>
      %swap3A_176 = arith.index_cast %add3A_159 : i32 to index
      %swap3A_177 = tpu.vector_load %arg16[%swap3A_176] {strides = array<i32>} : memref<10112xi32, #tpu.memory_space<vmem>>, vector<16xi32>,
      tpu.vector_store %arg16[%swap3A_176], %add3A_175 {strides = array<i32>} : memref<10112xi32, #tpu.memory_space<vmem>>, vector<16xi32>,
      %swap3A_178 = arith.index_cast %add3A_159 : i32 to index
      %swap3A_179 = tpu.vector_load %arg17[%swap3A_178] {strides = array<i32>} : memref<10112xf32, #tpu.memory_space<vmem>>, vector<16xf32>,
      tpu.vector_store %arg17[%swap3A_178], %neg3A_171 {strides = array<i32>} : memref<10112xf32, #tpu.memory_space<vmem>>, vector<16xf32>,
      %mul3A_180 = arith.constant 128 : i32
      %mul3A_181 = arith.muli %scan3A_15, %mul3A_180 : i32
      %add3A_182 = arith.constant 112 : i32
      %add3A_183 = arith.addi %mul3A_181, %add3A_182 : i32
      %get3A_184 = arith.index_cast %scan3A_15 : i32 to index
      %get3A_185 = arith.constant 112 : index
      %get3A_186 = tpu.vector_load %arg14[%get3A_184, %get3A_185] {strides = array<i32>} : memref<79x128xi32, #tpu.memory_space<vmem>>, vector<16xi32>,
      %get3A_187 = arith.index_cast %scan3A_15 : i32 to index
      %get3A_188 = arith.constant 112 : index
      %get3A_189 = tpu.vector_load %arg15[%get3A_187, %get3A_188] {strides = array<i32>} : memref<79x128xi32, #tpu.memory_space<vmem>>, vector<16xi32>,
      %gather3A_190 = tpu.vector_load_idx %arg12[%get3A_186] : memref<10112xf32, #tpu.memory_space<vmem>>[vector<16xi32>], vector<16xf32>,
      %gather3A_191 = tpu.vector_load_idx %arg12[%get3A_189] : memref<10112xf32, #tpu.memory_space<vmem>>[vector<16xi32>], vector<16xf32>,
      %mul3A_192 = arith.mulf %gather3A_190, %gather3A_191 : vector<16xf32>
      %neg3A_193 = arith.constant 0.000000e+00 : f32
      %neg3A_194 = vector.broadcast %neg3A_193 : f32 to vector<16xf32>
      %neg3A_195 = arith.subf %neg3A_194, %mul3A_192 : vector<16xf32>
      %mul3A_196 = arith.constant 10112 : i32
      %mul3A_197 = vector.broadcast %mul3A_196 : i32 to vector<16xi32>
      %mul3A_198 = arith.muli %get3A_186, %mul3A_197 : vector<16xi32>
      %add3A_199 = arith.addi %mul3A_198, %get3A_189 : vector<16xi32>
      %swap3A_200 = arith.index_cast %add3A_183 : i32 to index
      %swap3A_201 = tpu.vector_load %arg16[%swap3A_200] {strides = array<i32>} : memref<10112xi32, #tpu.memory_space<vmem>>, vector<16xi32>,
      tpu.vector_store %arg16[%swap3A_200], %add3A_199 {strides = array<i32>} : memref<10112xi32, #tpu.memory_space<vmem>>, vector<16xi32>,
      %swap3A_202 = arith.index_cast %add3A_183 : i32 to index
      %swap3A_203 = tpu.vector_load %arg17[%swap3A_202] {strides = array<i32>} : memref<10112xf32, #tpu.memory_space<vmem>>, vector<16xf32>,
      tpu.vector_store %arg17[%swap3A_202], %neg3A_195 {strides = array<i32>} : memref<10112xf32, #tpu.memory_space<vmem>>, vector<16xf32>,
    }
    %scan3A_14 = arith.constant 79 : i32
    "tpu.region"() ({
      %run_scoped3A = tpu.sem_alloc : memref<!tpu.dma_semaphore, #tpu.memory_space<semaphore_mem>>
      %dma_start3A = arith.constant 0 : i32
      %dma_start3A_15 = tpu.memref_slice %arg2[%dma_start3A] : memref<101120000xf32, #tpu.memory_space<hbm>> -> memref<101120000xf32, #tpu.memory_space<hbm>>
      tpu.enqueue_indirect_dma source(%arg17 : memref<10112xf32, #tpu.memory_space<vmem>>) target(%dma_start3A_15 : memref<101120000xf32, #tpu.memory_space<hbm>>) offsets(%arg16 : memref<10112xi32, #tpu.memory_space<vmem>>) semaphore(%run_scoped3A : memref<!tpu.dma_semaphore, #tpu.memory_space<semaphore_mem>>)
      %dma_wait3A = arith.constant 0 : i32
      %dma_wait3A_16 = tpu.memref_slice %arg2[%dma_wait3A] : memref<101120000xf32, #tpu.memory_space<hbm>> -> memref<101120000xf32, #tpu.memory_space<hbm>>
      tpu.wait_indirect_dma semaphore(%run_scoped3A : memref<!tpu.dma_semaphore, #tpu.memory_space<semaphore_mem>>) src(%arg17 : memref<10112xf32, #tpu.memory_space<vmem>>) dst(%dma_wait3A_16 : memref<101120000xf32, #tpu.memory_space<hbm>>)
      tpu.yield
    }) : () -> ()
    return
  }
}

module attributes {stable_mosaic.version = 14 : i64} {
  func.func @_eye_body(%arg0: i32, %arg1: memref<15800x128xf32, #tpu.memory_space<vmem>>) attributes {dimension_semantics = [#tpu.dimension_semantics<arbitrary>], iteration_bounds = array<i64: 50>, scalar_prefetch = 0 : i64, scratch_operands = 0 : i64, tpu.core_type = #tpu.core_type<tc>, window_params = [{transform_indices = @transform_0, window_bounds = array<i64: 15800, 128>}]} {
    %broadcast_in_dim3A = arith.constant 0.000000e+00 : f32
    %broadcast_in_dim3A_0 = vector.broadcast %broadcast_in_dim3A : f32 to vector<15800x128xf32>
    %swap3A = arith.constant 0 : index
    %swap3A_1 = arith.constant 0 : index
    %swap3A_2 = vector.load %arg1[%swap3A, %swap3A_1] : memref<15800x128xf32, #tpu.memory_space<vmem>>, vector<15800x128xf32>
    tpu.vector_store %arg1[%swap3A, %swap3A_1], %broadcast_in_dim3A_0 {strides = array<i32>} : memref<15800x128xf32, #tpu.memory_space<vmem>>, vector<15800x128xf32>,
    return
  }
  func.func @transform_0(%arg0: i32) -> (i32, i32) {
    %c0_i32 = arith.constant 0 : i32
    %c0_i32_0 = arith.constant 0 : i32
    return %arg0, %c0_i32 : i32, i32
  }
}

module attributes {stable_mosaic.version = 14 : i64} {
  func.func @_depad_body(%arg0: i32, %arg1: memref<15800x128xf32, #tpu.memory_space<vmem>>, %arg2: memref<200x10000xf32, #tpu.memory_space<vmem>>) attributes {dimension_semantics = [#tpu.dimension_semantics<arbitrary>], iteration_bounds = array<i64: 50>, scalar_prefetch = 0 : i64, scratch_operands = 0 : i64, tpu.core_type = #tpu.core_type<tc>, window_params = [{transform_indices = @transform_0, window_bounds = array<i64: 15800, 128>}, {transform_indices = @transform_1, window_bounds = array<i64: 200, 10000>}]} {
    %iota3A = tpu.iota {dimensions = array<i32: 0>} : vector<200x10000xi32>
    %mul3A = arith.constant 200 : i32
    %mul3A_0 = arith.muli %arg0, %mul3A : i32
    %add3A = vector.broadcast %mul3A_0 : i32 to vector<200x10000xi32>
    %add3A_1 = arith.addi %iota3A, %add3A : vector<200x10000xi32>
    %iota3A_2 = tpu.iota {dimensions = array<i32: 1>} : vector<200x10000xi32>
    %eq3A = arith.cmpi eq, %add3A_1, %iota3A_2 : vector<200x10000xi32>
    %convert_element_type3A = arith.extui %eq3A : vector<200x10000xi1> to vector<200x10000xi32>
    %convert_element_type3A_3 = arith.sitofp %convert_element_type3A : vector<200x10000xi32> to vector<200x10000xf32>
    %get3A = arith.constant 0 : index
    %get3A_4 = arith.constant 0 : index
    %get3A_5 = vector.load %arg1[%get3A, %get3A_4] : memref<15800x128xf32, #tpu.memory_space<vmem>>, vector<15800x128xf32>
    %reshape3A = vector.shape_cast %get3A_5 : vector<15800x128xf32> to vector<200x10112xf32>
    %slice3A = vector.extract_strided_slice %reshape3A {offsets = [0, 0], sizes = [200, 10000], strides = [1, 1]} : vector<200x10112xf32> to vector<200x10000xf32>
    %add3A_6 = arith.addf %slice3A, %convert_element_type3A_3 : vector<200x10000xf32>
    %swap3A = arith.constant 0 : index
    %swap3A_7 = arith.constant 0 : index
    %swap3A_8 = vector.load %arg2[%swap3A, %swap3A_7] : memref<200x10000xf32, #tpu.memory_space<vmem>>, vector<200x10000xf32>
    tpu.vector_store %arg2[%swap3A, %swap3A_7], %add3A_6 {strides = array<i32>} : memref<200x10000xf32, #tpu.memory_space<vmem>>, vector<200x10000xf32>,
    return
  }
  func.func @transform_0(%arg0: i32) -> (i32, i32) {
    %c0_i32 = arith.constant 0 : i32
    %c0_i32_0 = arith.constant 0 : i32
    return %arg0, %c0_i32 : i32, i32
  }
  func.func @transform_1(%arg0: i32) -> (i32, i32) {
    %c0_i32 = arith.constant 0 : i32
    %c0_i32_0 = arith.constant 0 : i32
    return %arg0, %c0_i32 : i32, i32
  }
}

</mosaic_0001>

<sc_bundles>
// kernel: kernel.5.cloned.1.call-start
scs
__scs_entry_jumppad:
0x0: {  	(pc) =	sbr.rel $0x88, $3  }
0x1: {  	(tag) =	ssettag $0x0;
	lr =	simm.s32 $0x1  }
0x2: {  	[smem:$0x3FA0] =	sst lr;
	_ =	strace $0xD0000000  }
0x3: {  	_ = 	snop  }
0x4: {  	_ = 	snop  }
0x5: {  	_ = 	snop  }
0x6: {  	_ = 	snop  }
0x7: {  	_ = 	snop  }
__scs_overlays_trampoline_lowered:
0x8: {  	[smem:$0x3FAF] =	sst s0  }
0x9: {  	[smem:$0x3FB0] =	sst s1  }
0xa: {  	[smem:$0x3FB1] =	sst s2  }
0xb: {  	[smem:$0x3FB2] =	sst s3  }
0xc: {  	[smem:$0x3FB3] =	sst s4  }
0xd: {  	[smem:$0x3FB4] =	sst s5  }
0xe: {  	[smem:$0x3FB5] =	sst s6  }
0xf: {  	[smem:$0x3FB6] =	sst s7  }
0x10: {  	[smem:$0x3FB7] =	sst s8  }
0x11: {  	[smem:$0x3FB8] =	sst s9;
	s0 =	simm.s32 @!p0 $0x0  }
0x12: {  	s1 =	sld [smem:$0x3F9E];
	s0 =	simm.s32 @p0 $0x1  }
0x13: {  	[smem:$0x3FB9] =	sst s0;
	s0 =	simm.s32 @!p1 $0x0  }
0x14: {  	s2 =	sld [smem:$0x3F9D];
	s0 =	simm.s32 @p1 $0x1  }
0x15: {  	[smem:$0x3FBA] =	sst s0;
	s0 =	simm.s32 @!p2 $0x0  }
0x16: {  	s3 =	sld [smem:$0x3FDB];
	s0 =	simm.s32 @p2 $0x1  }
0x17: {  	s4 =	simm.s32 $0x1BF5;
	[smem:$0x3FBC] =	sst s0  }
0x18: {  	s0 =	sld [smem:$0x3F9F];
	_ =	swait.ge [sflag:s4], $0x0  }
0x19: {  	s7 =	sld [smem:$0x3FA0]  }
0x1a: {  	s8 =	sadd.s32 $0xFFFFE003, lr  }
0x1b: {  	s9 =	sadd.s32 $0xFFFFFEF7, lr;
	s5 =	simm.s32 $0xFFFFFFFF;
	p2 =	slt.u32 s8, $0xFFFFF086  }
0x1c: {  	p1 =	slt.u32 s9, $0xF7A;
	s5 =	simm.s32 @!p2 $0x0  }
0x1d: {  	s5 =	simm.s32 @p1 $0x1;
	p0 =	seq.s32 s7, s2  }
0x1e: {  	s7 =	smul.u32 @!p0 $0xF7A, s2;
	p2 =	seq.s32 @!p0 s5, $0x0  }
0x1f: {  	s9 =	smul.u32 $0xF7A, s1;
	s8 =	simm.s32 @!p0 $0x1BF5;
	p2 =	por !p2, p0  }
0x20: {  	[sflag:s8] =	ssyncset.s32 @!p0 $0xFFFFF086;
	s6 =	sadd.s32 @!p0 s3, s7;
	s7 =	simm.s32 @!p0 $0x108  }
0x21: {  	s3 =	sadd.s32 s3, s9;
	s6 =	sadd.s32 @!p0 $0x88, s6;
	s7 =	simm.s32 @p2 $0x1082  }
0x22: {  	[simem:s7], [sflag:s8] =	dma.local @!p0 [hbm:s6], $0xF7A  }
0x23: {  	s9 =	sor.u32 $0xD0000000, s2;
	s6 =	simm.s32 $0x108;
	_ =	swait.ge @!p0 [sflag:s8], $0x0  }
0x24: {  	s3 =	sadd.s32 $0x88, s3;
	s6 =	simm.s32 @!p1 $0x1082;
	[sflag:s4] =	ssyncset.s32 $0xFFFFF086  }
0x25: {  	[simem:s6], [sflag:s4] =	dma.local [hbm:s3], $0xF7A  }
0x26: {  	[smem:$0x3FA0] =	sst s1;
	(tag) =	ssettag s2;
	_ =	strace s9  }
0x27: {  	s1 =	sld [smem:$0x3FB0]  }
0x28: {  	s2 =	sld [smem:$0x3FB1]  }
0x29: {  	s4 =	sld [smem:$0x3FB3]  }
0x2a: {  	p0 =	seq.s32 s5, $0x0;
	s5 =	sld [smem:$0x3FB4]  }
0x2b: {  	s6 =	sld [smem:$0x3FB5]  }
0x2c: {  	s7 =	sld [smem:$0x3FB6]  }
0x2d: {  	s3 =	simm.s32 $0x108;
	s8 =	sld [smem:$0x3FB7]  }
0x2e: {  	s3 =	simm.s32 @!p0 $0x1082;
	s9 =	sld [smem:$0x3FB8]  }
0x2f: {  	lr =	sadd.s32 s0, s3;
	s0 =	sld [smem:$0x3FAF]  }
0x30: {  	s3 =	sld [smem:$0x3FB2]  }
0x31: {  	[smem:$0x3FBB] =	sst s10  }
0x32: {  	s10 =	sld [smem:$0x3FB9];
	_ =	sdelay $0x3  }
0x33: {  	p0 =	seq.s32 s10, $0x1;
	s10 =	sld [smem:$0x3FBB];
	_ =	sdelay $0x3  }
0x34: {  	[smem:$0x3FBB] =	sst s10  }
0x35: {  	s10 =	sld [smem:$0x3FBA];
	_ =	sdelay $0x3  }
0x36: {  	p1 =	seq.s32 s10, $0x1;
	s10 =	sld [smem:$0x3FBB];
	_ =	sdelay $0x3  }
0x37: {  	[smem:$0x3FBB] =	sst s10  }
0x38: {  	s10 =	sld [smem:$0x3FBC]  }
0x39: {  	_ = 	snop;
	(pc) =	sbr.ind lr, $3  }
0x3a: {  	_ = 	snop  }
0x3b: {  	_ = 	snop  }
0x3c: {  	p2 =	seq.s32 s10, $0x1;
	s10 =	sld [smem:$0x3FBB]  }
0x3d: {  	_ =	shalt  }
0x3e: {  	_ =	shalt  }
0x3f: {  	_ =	shalt  }
0x40: {  	_ =	shalt  }
0x41: {  	_ =	shalt  }
0x42: {  	_ =	shalt  }
0x43: {  	_ =	shalt  }
0x44: {  	_ =	shalt  }
0x45: {  	_ =	shalt  }
0x46: {  	_ =	shalt  }
0x47: {  	_ =	shalt  }
0x48: {  	_ =	shalt  }
0x49: {  	_ =	shalt  }
0x4a: {  	_ =	shalt  }
0x4b: {  	_ =	shalt  }
0x4c: {  	_ =	shalt  }
0x4d: {  	_ =	shalt  }
0x4e: {  	_ =	shalt  }
0x4f: {  	_ =	shalt  }
0x50: {  	_ =	shalt  }
0x51: {  	_ =	shalt  }
0x52: {  	_ =	shalt  }
0x53: {  	_ =	shalt  }
0x54: {  	_ =	shalt  }
0x55: {  	_ =	shalt  }
0x56: {  	_ =	shalt  }
0x57: {  	_ =	shalt  }
0x58: {  	_ =	shalt  }
0x59: {  	_ =	shalt  }
0x5a: {  	_ =	shalt  }
0x5b: {  	_ =	shalt  }
0x5c: {  	_ =	shalt  }
0x5d: {  	_ =	shalt  }
0x5e: {  	_ =	shalt  }
0x5f: {  	_ =	shalt  }
0x60: {  	_ =	shalt  }
0x61: {  	_ =	shalt  }
0x62: {  	_ =	shalt  }
0x63: {  	_ =	shalt  }
0x64: {  	_ =	shalt  }
0x65: {  	_ =	shalt  }
0x66: {  	_ =	shalt  }
0x67: {  	_ =	shalt  }
0x68: {  	_ =	shalt  }
0x69: {  	_ =	shalt  }
0x6a: {  	_ =	shalt  }
0x6b: {  	_ =	shalt  }
0x6c: {  	_ =	shalt  }
0x6d: {  	_ =	shalt  }
0x6e: {  	_ =	shalt  }
0x6f: {  	_ =	shalt  }
0x70: {  	_ =	shalt  }
0x71: {  	_ =	shalt  }
0x72: {  	_ =	shalt  }
0x73: {  	_ =	shalt  }
0x74: {  	_ =	shalt  }
0x75: {  	_ =	shalt  }
0x76: {  	_ =	shalt  }
0x77: {  	_ =	shalt  }
0x78: {  	_ =	shalt  }
0x79: {  	_ =	shalt  }
0x7a: {  	_ =	shalt  }
0x7b: {  	_ =	shalt  }
0x7c: {  	_ =	shalt  }
0x7d: {  	_ =	shalt  }
0x7e: {  	_ =	shalt  }
0x7f: {  	_ =	shalt  }
0x80: {  	_ =	shalt  }
0x81: {  	_ =	shalt  }
0x82: {  	_ =	shalt  }
0x83: {  	_ =	shalt  }
0x84: {  	_ =	shalt  }
0x85: {  	_ =	shalt  }
0x86: {  	_ =	shalt  }
0x87: {  	_ =	shalt  }
.Lfunc_end0:
.L_simem_size_0:
called_computation_lowered:
.L_overlay_start_0:
0x88: {  	s2 =	sld [smem:$0x3FD9]  }
0x89: {  	s3 =	sld [smem:$0x3FFE];
	_ =	sdelay $0x1  }
0x8a: {  	s1 =	srdreg.scid  }
0x8b: {  	s0 =	sand.u32 $0x1, s1  }
0x8c: {  	s17 =	sshll.u32 s0, $0xA;
	s2 =	sadd.s32 s3, s2  }
0x8d: {  	s2 =	sadd.s32 s2, s17  }
0x8e: {  	[smem:$0x3FC7] =	sst s2  }
0x8f: {  	_ = 	snop  }
0x90: {  	s2 =	sld [smem:$0x3FD0];
	(tm) =	ssettm $0x1  }
0x91: {  	s18 =	sld [smem:$0x3FFB];
	_ =	sdelay $0x3  }
0x92: {  	_ =	strace s18  }
0x93: {  	s3 =	sld [smem:$0x3FFC];
	_ =	sdelay $0x3  }
0x94: {  	_ =	strace s3  }
0x95: {  	s3 =	sld [smem:$0x3FFD];
	_ =	sdelay $0x3  }
0x96: {  	_ =	strace s3  }
0x97: {  	_ =	strace $0x8FFFFFFF  }
0x98: {  	s19 =	sld [smem:$0x3FDB];
	_ =	sdelay $0x1  }
0x99: {  	s4 =	simm.s32 $_scs_section_size  }
0x9a: {  	s5 =	simm.s32 $_size__tile_overlayer_lowered;
	s6 =	simm.s32 $_tile_overlayer_lowered  }
0x9b: {  	s22 =	simm.s32 $0x1BFF;
	s21 =	sshll.u32 s6, $0x1;
	s3 =	sadd.s32 s4, s19  }
0x9c: {  	s7 =	simm.s32 $0x0;
	s20 =	sshll.u32 s5, $0x1;
	s5 =	sadd.s32 s21, s3  }
0x9d: {  	[timem:s7], [sflag:s22] =	dma.local [hbm:s5], s20  }
0x9e: {  	_ =	swait.ge [sflag:s22], s20  }
0x9f: {  	s4 =	ssub.s32 $0x0, s20;
	[sflag:s22] =	ssyncset.done $0x0  }
0xa0: {  	[sflag:s22] =	ssyncadd.s32 s4;
	_ =	sdelay $0x1  }
0xa1: {  	s23 =	simm.s32 $0x1B8B  }
0xa2: {  	_ =	swait.ge [sflag:s23], $0x1  }
0xa3: {  	[sflag:s23] =	ssyncset.done $0x0  }
0xa4: {  	s25 =	simm.s32 $0x1B8E;
	s24 =	sld [smem:$0x3FFE];
	[sflag:s23] =	ssyncadd.s32 $0xFFFFFFFF  }
0xa5: {  	s26 =	simm.s32 $execute0_lowered;
	[smem:$0x3FD2] =	sst s25  }
0xa6: {  	s5 =	sshll.u32 s26, $0x1;
	_ =	strace $0x80000046;
	[dreg:$0x1] =	wrdreg $0xFFFFFFFF  }
0xa7: {  	s28 =	simm.s32 $_size_execute0_lowered;
	s3 =	sadd.s32 s3, s5;
	[dreg:$0x0] =	wrdreg $0x0  }
0xa8: {  	s5 =	sshll.u32 s28, $0x1;
	[dreg:$0x2] =	wrdreg s3  }
0xa9: {  	[dreg:$0x3] =	wrdreg s5  }
0xaa: {  	[dreg:$0x4] =	wrdreg $0xC0  }
0xab: {  	_ =	task [dreg:s7], $0x5FFFF  }
0xac: {  	[dreg:$0x1] =	wrdreg $0xFFFFFFFF  }
0xad: {  	[dreg:$0x0] =	wrdreg $0x60  }
0xae: {  	[dreg:$0x2] =	wrdreg s24  }
0xaf: {  	[dreg:$0x3] =	wrdreg s2  }
0xb0: {  	[dreg:$0x4] =	wrdreg $0x18B000  }
0xb1: {  	[dreg:$0x5] =	wrdreg $0x9  }
0xb2: {  	_ =	task.clear_ibuf [dreg:s7], $0x6FFFF;
	_ =	strace $0x90000046  }
0xb3: {  	s29 =	simm.s32 $0x9;
	_ =	strace $0x80000048  }
0xb4: {  	_ =	swait.ge [sflag:s29], $0x1  }
0xb5: {  	[sflag:s29] =	ssyncadd.s32 $0xFFFFFFFF  }
0xb6: {  	_ =	strace $0x90000048  }
0xb7: {  	_ =	sfence  }
0xb8: {  	s30 =	sld [smem:$0x0];
	_ =	sdelay $0x2  }
0xb9: {  	s31 =	sshll.u32 s1, $0xD;
	s1 =	sshrl.u32 s1, $0x2  }
0xba: {  	s3 =	sand.u32 $0x4000, s31;
	s1 =	sadd.s32 s1, s30  }
0xbb: {  	s0 =	sor.u32 s3, s0;
	s1 =	sshll.u32 s1, $0x11  }
0xbc: {  	s0 =	sor.u32 s1, s0  }
0xbd: {  	s0 =	sadd.s32 $0x8F2B, s0  }
0xbe: {  	[sflag:s0] =	ssyncadd.remote.s32 $0x1  }
0xbf: {  	_ =	sfence.sel $0xFFFF  }
0xc0: {  	[dreg:$0x0] =	wrdreg $0xFFFFFFFF;
	(pc) =	sbr.abs _section_cstart, $3  }
0xc1: {  	[dreg:$0x1] =	wrdreg $0xFFFFFFFF  }
0xc2: {  	_ =	task.clear_ibuf [dreg:s7], $0x2FFFF;
	_ =	strace $0x9FFFFFFF  }
0xc3: {  	(tm) =	ssettm $0x7FFFFFFF  }
tec
execute0_lowered:
.L_overlay_start_1:
0x0: {  	(tag) =	ssettag $0x1  }
0x1: {  	s1 =	rddreg [dreg:$0x0]  }
0x2: {  	s8 =	rddreg [dreg:$0x1]  }
0x3: {  	s2 =	rddreg [dreg:$0x2]  }
0x4: {  	s11 =	stileid.u32;
	s0 =	rddreg [dreg:$0x3]  }
0x5: {  	s5 =	srdreg.scid;
	s14 =	simm.s32 $0x4E80;
	s15 =	simm.s32 $0xC480  }
0x6: {  	s16 =	simm.s32 $0x9D00;
	s17 =	simm.s32 $0xEC00;
	s18 =	simm.s32 $0x11400  }
0x7: {  	s19 =	simm.s32 $0x2780;
	s20 =	simm.s32 $0x13C00;
	s21 =	simm.s32 $0x16380  }
0x8: {  	s22 =	simm.s32 $0x0;
	s3 =	sshrl.u32 s11, $0x3;
	s29 =	sshll.u32 s11, $0x7  }
0x9: {  	s5 =	sand.u32 $0x1, s5;
	s7 =	sshll.u32 s11, $0x1;
	p0 =	sne.s32 s11, $0x0  }
0xa: {  	s11 =	simm.s32 $0x80;
	s4 =	smul.u32 $0x27400, s3;
	s6 =	sand.u32 $0x380, s29  }
0xb: {  	s3 =	simm.s32 $0x0;
	s30 =	sor.u32 s5, s7;
	s12 =	ssub.s32 $0x2, s5  }
0xc: {  	s5 =	sadd.s32 $0xC22400, s1;
	[smem:$0x7FF] =	sst s3;
	s9 =	smul.u32 $0x500, s30  }
0xd: {  	s13 =	sshrl.u32 s12, $0x1;
	s4 =	sor.u32 s6, s4;
	_ =	strace $0x80000047  }
0xe: {  	s6 =	sadd.s32 $0xC21E00, s1;
	s12 =	ssub.s32 s12, s13;
	s13 =	simm.s32 $0x1  }
0xf: {  	s4 =	sshrl.u32 s4, $0x3;
	s10 =	sadd.s32 s9, s1;
	s8 =	sadd.s32 s8, s9  }
0x10: {  	s31 =	sadd.s32 s4, s1;
	s4 =	sadd.s32 $0xC22A00, s1;
	s9 =	sadd.s32 $0xC0E000, s10  }
0x11: {  	s10 =	smax.u32 s12, $0x1;
	s12 =	simm.s32 $0x400;
	s7 =	sadd.s32 $0xC18000, s31  }
.LBB2_1:
0x12: {  	[tilespmem:s3], [sflag:$0x1] =	stream.strided.gather [hbm4b:s7+s11], $0x4E80, s12, s11, $0x38;
	[tilespmem:$0x18D78] =	vst v63  }
0x13: {  	_ =	swait.ge [sflag:s13], $0x4E80  }
0x14: {  	[sflag:s13] =	ssyncset.done $0x0  }
0x15: {  	[sflag:s13] =	ssyncadd.s32 $0xFFFFB180  }
0x16: {  	[tilespmem:s14], [sflag:$0x1] =	stream.linear.gather [hbm4b:s4+s3], $0x4E80, $0x38;
	[tilespmem:$0x18D78] =	vst v63  }
0x17: {  	_ =	swait.ge [sflag:s13], $0x4E80  }
0x18: {  	[sflag:s13] =	ssyncset.done $0x0  }
0x19: {  	[sflag:s13] =	ssyncadd.s32 $0xFFFFB180  }
0x1a: {  	[tilespmem:s15], [sflag:$0x1] =	stream.linear.gather [hbm4b:s6+s3], $0x2780, $0x38;
	[tilespmem:$0x18D78] =	vst v63  }
0x1b: {  	_ =	swait.ge [sflag:s13], $0x2780  }
0x1c: {  	[sflag:s13] =	ssyncset.done $0x0  }
0x1d: {  	s23 =	simm.s32 @!p0 $0x0;
	s24 =	simm.s32 @!p0 $0x9D00;
	[sflag:s13] =	ssyncadd.s32 $0xFFFFD880  }
0x1e: {  	[tilespmem:s24], [sflag:$0x1] =	stream.linear.gather @!p0 [hbm4b:s5+s23], $0x2780, $0x38;
	[tilespmem:$0x18D78] =	vst v63  }
0x1f: {  	s23 =	simm.s32 @!p0 $0x1  }
0x20: {  	_ =	swait.ge @!p0 [sflag:s23], $0x2780  }
0x21: {  	[sflag:s23] =	ssyncset.done @!p0 $0x0  }
0x22: {  	[sflag:s23] =	ssyncadd.s32 @!p0 $0xFFFFD880  }
0x23: {  	[spmem:s2] =	stream.linear.scatter @!p0 [tilespmem:s24], [sflag:$0x1], $0x2780, $0x38;
	[tilespmem:$0x18D78] =	vst v63  }
0x24: {  	_ =	swait.ge @!p0 [sflag:s23], $0x2780  }
0x25: {  	[sflag:s23] =	ssyncset.done @!p0 $0x0  }
0x26: {  	[sflag:s23] =	ssyncadd.s32 @!p0 $0xFFFFD880  }
0x27: {  	[bflag:$0x0] =	sbarrier.arrive $0xFFFF  }
0x28: {  	[spmem:s2] =	stream.indirect.scatter.add.f32 [tilespmem:s14], [sflag:$0x1], $0x1, s3, s14, $0xb8;
	[tilespmem:$0x18D78] =	vst v63  }
0x29: {  	_ =	swait.ge [sflag:s13], $0x4E80  }
0x2a: {  	[sflag:s13] =	ssyncset.done $0x0  }
0x2b: {  	[sflag:s13] =	ssyncadd.s32 $0xFFFFB180  }
0x2c: {  	[bflag:$0x0] =	sbarrier.arrive $0xFFFF  }
0x2d: {  	[tilespmem:s16], [sflag:$0x1] =	stream.linear.gather [spmem:s2], $0x2780, $0x38;
	[tilespmem:$0x18D78] =	vst v63  }
0x2e: {  	_ =	swait.ge [sflag:s13], $0x2780  }
0x2f: {  	[sflag:s13] =	ssyncset.done $0x0  }
0x30: {  	s24 =	simm.s32 $0x40;
	s23 =	simm.s32 $0x0;
	[sflag:s13] =	ssyncadd.s32 $0xFFFFD880  }
.LBB2_2:
0x31: {  	p1 =	sne.s32 s24, $0x9DC0;
	v0 =	vld [tilespmem:s23+$0x9D00];
	_ =	sdelay $0x4  }
0x32: {  	v0 =	vtrunc.f32 v0  }
0x33: {  	v0 =	vcvt.f32.s32 v0;
	_ =	sdelay $0x5  }
0x34: {  	v0 =	vld.idx.msk [tilespmem:v0+s15+$0x0], $0xffff;
	_ =	sdelay $0x1  }
.Ltmp0:
0x35: {  	(pc) =	sbr.rel @p1 .LBB2_2-.Ltmp0, $2  }
0x36: {  	_ =	sdelay $0x2  }
0x37: {  	[tilespmem:s23+$0x9D00] =	vst v0;
	s23 =	sshra.s32 s24, $0x2;
	s24 =	sadd.s32 $0x40, s24  }
0x38: {  	v0 =	vld [tilespmem:s23+$0x9D00];
	_ =	sdelay $0x4  }
0x39: {  	v0 =	vtrunc.f32 v0  }
0x3a: {  	v0 =	vcvt.f32.s32 v0;
	_ =	sdelay $0x5  }
0x3b: {  	v0 =	vld.idx.msk [tilespmem:v0+s15+$0x0], $0xffff;
	_ =	sdelay $0x4  }
0x3c: {  	[tilespmem:s23+$0x9D00] =	vst v0  }
0x3d: {  	[tilespmem:s17], [sflag:$0x1] =	stream.linear.gather [hbm4b:s8+s3], $0x2780, $0x38;
	[tilespmem:$0x18D78] =	vst v63  }
0x3e: {  	_ =	swait.ge [sflag:s13], $0x2780  }
0x3f: {  	[sflag:s13] =	ssyncset.done $0x0  }
0x40: {  	[sflag:s13] =	ssyncadd.s32 $0xFFFFD880  }
0x41: {  	[tilespmem:s18], [sflag:$0x1] =	stream.linear.gather [hbm4b:s9+s3], $0x2780, $0x38;
	[tilespmem:$0x18D78] =	vst v63  }
0x42: {  	_ =	swait.ge [sflag:s13], $0x2780  }
0x43: {  	[sflag:s13] =	ssyncset.done $0x0  }
0x44: {  	s23 =	simm.s32 $0x70;
	[sflag:s13] =	ssyncadd.s32 $0xFFFFD880  }
0x45: {  	v0 =	vld [tilespmem:s23+$0xEB90]  }
0x46: {  	v1 =	vld [tilespmem:s23+$0x11390];
	_ =	sdelay $0x6  }
0x47: {  	v2 =	vld.idx.msk [tilespmem:v0+s16+$0x0], $0xffff  }
0x48: {  	v3 =	vld.idx.msk [tilespmem:v1+s16+$0x0], $0xffff;
	_ =	sdelay $0x1  }
0x49: {  	v4 =	vld [tilespmem:s23+$0xEBA0]  }
0x4a: {  	v5 =	vld [tilespmem:s23+$0x113A0];
	_ =	sdelay $0x1  }
0x4b: {  	v0 =	vmul.u32 $0x2780, v0;
	v2 =	vmul.f32 v3, v2;
	_ =	sdelay $0x1  }
0x4c: {  	v0 =	vadd.s32 v1, v0;
	v1 =	vsub.f32 $0.0e+00, v2  }
0x4d: {  	[tilespmem:s23+$0x13B90] =	vst v0  }
0x4e: {  	[tilespmem:s23+$0x16310] =	vst v1  }
0x4f: {  	v0 =	vld.idx.msk [tilespmem:v4+s16+$0x0], $0xffff  }
0x50: {  	v1 =	vld.idx.msk [tilespmem:v5+s16+$0x0], $0xffff;
	_ =	sdelay $0x1  }
0x51: {  	v2 =	vld [tilespmem:s23+$0xEBB0]  }
0x52: {  	v3 =	vld [tilespmem:s23+$0x113B0];
	_ =	sdelay $0x1  }
0x53: {  	v4 =	vmul.u32 $0x2780, v4;
	v0 =	vmul.f32 v1, v0;
	_ =	sdelay $0x1  }
0x54: {  	v1 =	vadd.s32 v5, v4;
	v0 =	vsub.f32 $0.0e+00, v0  }
0x55: {  	[tilespmem:s23+$0x13BA0] =	vst v1  }
0x56: {  	[tilespmem:s23+$0x16320] =	vst v0  }
0x57: {  	v0 =	vld.idx.msk [tilespmem:v2+s16+$0x0], $0xffff  }
0x58: {  	v1 =	vld.idx.msk [tilespmem:v3+s16+$0x0], $0xffff;
	_ =	sdelay $0x1  }
0x59: {  	v62 =	vld [tilespmem:s23+$0xEBC0]  }
0x5a: {  	v63 =	vld [tilespmem:s23+$0x113C0];
	_ =	sdelay $0x1  }
0x5b: {  	v0 =	vmul.f32 v1, v0;
	v1 =	vmul.u32 $0x2780, v2;
	_ =	sdelay $0x1  }
0x5c: {  	v0 =	vsub.f32 $0.0e+00, v0;
	v1 =	vadd.s32 v3, v1  }
0x5d: {  	[tilespmem:s23+$0x13BB0] =	vst v1  }
0x5e: {  	[tilespmem:s23+$0x16330] =	vst v0  }
0x5f: {  	v1 =	vmul.u32 $0x2780, v62;
	v0 =	vld.idx.msk [tilespmem:v62+s16+$0x0], $0xffff  }
0x60: {  	v2 =	vld.idx.msk [tilespmem:v63+s16+$0x0], $0xffff  }
0x61: {  	v1 =	vadd.s32 v63, v1  }
0x62: {  	[tilespmem:s23+$0x13BC0] =	vst v1;
	v1 =	vld [tilespmem:s23+$0xEBD0]  }
0x63: {  	v3 =	vld [tilespmem:s23+$0x113D0];
	_ =	sdelay $0x1  }
0x64: {  	v0 =	vmul.f32 v2, v0;
	_ =	sdelay $0x1  }
0x65: {  	v0 =	vsub.f32 $0.0e+00, v0;
	_ =	sdelay $0x1  }
0x66: {  	v2 =	vmul.u32 $0x2780, v1;
	[tilespmem:s23+$0x16340] =	vst v0  }
0x67: {  	v0 =	vld.idx.msk [tilespmem:v1+s16+$0x0], $0xffff  }
0x68: {  	v1 =	vadd.s32 v3, v2;
	v2 =	vld.idx.msk [tilespmem:v3+s16+$0x0], $0xffff;
	_ =	sdelay $0x1  }
0x69: {  	[tilespmem:s23+$0x13BD0] =	vst v1;
	v1 =	vld [tilespmem:s23+$0xEBE0]  }
0x6a: {  	v3 =	vld [tilespmem:s23+$0x113E0];
	_ =	sdelay $0x1  }
0x6b: {  	v0 =	vmul.f32 v2, v0;
	_ =	sdelay $0x1  }
0x6c: {  	v0 =	vsub.f32 $0.0e+00, v0;
	_ =	sdelay $0x1  }
0x6d: {  	[tilespmem:s23+$0x16350] =	vst v0  }
0x6e: {  	v0 =	vmul.u32 $0x2780, v1;
	v1 =	vld.idx.msk [tilespmem:v1+s16+$0x0], $0xffff  }
0x6f: {  	v2 =	vld.idx.msk [tilespmem:v3+s16+$0x0], $0xffff  }
0x70: {  	v0 =	vadd.s32 v3, v0  }
0x71: {  	[tilespmem:s23+$0x13BE0] =	vst v0;
	v0 =	vld [tilespmem:s23+$0xEBF0]  }
0x72: {  	v3 =	vld [tilespmem:s23+$0x113F0];
	_ =	sdelay $0x1  }
0x73: {  	v1 =	vmul.f32 v2, v1;
	_ =	sdelay $0x1  }
0x74: {  	v1 =	vsub.f32 $0.0e+00, v1;
	_ =	sdelay $0x1  }
0x75: {  	v2 =	vmul.u32 $0x2780, v0;
	[tilespmem:s23+$0x16360] =	vst v1  }
0x76: {  	v0 =	vld.idx.msk [tilespmem:v0+s16+$0x0], $0xffff  }
0x77: {  	v1 =	vadd.s32 v3, v2;
	v2 =	vld.idx.msk [tilespmem:v3+s16+$0x0], $0xffff;
	_ =	sdelay $0x1  }
0x78: {  	[tilespmem:s23+$0x13BF0] =	vst v1;
	v1 =	vld [tilespmem:s23+$0xEC00]  }
0x79: {  	v3 =	vld [tilespmem:s23+$0x11400];
	_ =	sdelay $0x1  }
0x7a: {  	v0 =	vmul.f32 v2, v0;
	_ =	sdelay $0x1  }
0x7b: {  	v0 =	vsub.f32 $0.0e+00, v0  }
0x7c: {  	v2 =	vmul.u32 $0x2780, v1  }
0x7d: {  	[tilespmem:s23+$0x16370] =	vst v0  }
0x7e: {  	v2 =	vadd.s32 v3, v2;
	v0 =	vld.idx.msk [tilespmem:v1+s16+$0x0], $0xffff  }
0x7f: {  	s24 =	simm.s32 $0x3C0;
	s25 =	simm.s32 $0x5C0;
	v1 =	vld.idx.msk [tilespmem:v3+s16+$0x0], $0xffff;
	[tilespmem:s23+$0x13C00] =	vst v2  }
.LBB2_4:
0x80: {  	p1 =	sne.s32 s25, $0x9DC0  }
0x81: {  	s26 =	sshra.s32 s24, $0x2;
	s24 =	smov.u32 s25;
	s25 =	sadd.s32 $0x200, s25  }
0x82: {  	v2 =	vld [tilespmem:s26+$0xEB90]  }
0x83: {  	v3 =	vld [tilespmem:s26+$0x11390];
	_ =	sdelay $0x1  }
0x84: {  	v0 =	vmul.f32 v1, v0;
	_ =	sdelay $0x1  }
0x85: {  	v0 =	vsub.f32 $0.0e+00, v0;
	v1 =	vmul.u32 $0x2780, v2;
	_ =	sdelay $0x1  }
0x86: {  	v1 =	vadd.s32 v3, v1;
	[tilespmem:s23+$0x16380] =	vst v0;
	s23 =	smov.u32 s26  }
0x87: {  	v0 =	vld.idx.msk [tilespmem:v2+s16+$0x0], $0xffff  }
0x88: {  	v2 =	vld.idx.msk [tilespmem:v3+s16+$0x0], $0xffff;
	_ =	sdelay $0x2  }
0x89: {  	v3 =	vld [tilespmem:s23+$0xEBA0]  }
0x8a: {  	v4 =	vld [tilespmem:s23+$0x113A0];
	_ =	sdelay $0x1  }
0x8b: {  	v0 =	vmul.f32 v2, v0;
	_ =	sdelay $0x1  }
0x8c: {  	v0 =	vsub.f32 $0.0e+00, v0;
	v2 =	vmul.u32 $0x2780, v3  }
0x8d: {  	[tilespmem:s23+$0x13B90] =	vst v1  }
0x8e: {  	[tilespmem:s23+$0x16310] =	vst v0  }
0x8f: {  	v0 =	vld.idx.msk [tilespmem:v3+s16+$0x0], $0xffff  }
0x90: {  	v1 =	vld.idx.msk [tilespmem:v4+s16+$0x0], $0xffff;
	_ =	sdelay $0x2  }
0x91: {  	v3 =	vld [tilespmem:s23+$0xEBB0]  }
0x92: {  	v5 =	vld [tilespmem:s23+$0x113B0];
	_ =	sdelay $0x1  }
0x93: {  	v0 =	vmul.f32 v1, v0;
	_ =	sdelay $0x1  }
0x94: {  	v1 =	vadd.s32 v4, v2;
	v0 =	vsub.f32 $0.0e+00, v0  }
0x95: {  	[tilespmem:s23+$0x13BA0] =	vst v1  }
0x96: {  	[tilespmem:s23+$0x16320] =	vst v0  }
0x97: {  	v0 =	vld.idx.msk [tilespmem:v3+s16+$0x0], $0xffff  }
0x98: {  	v1 =	vld.idx.msk [tilespmem:v5+s16+$0x0], $0xffff;
	_ =	sdelay $0x2  }
0x99: {  	v2 =	vld [tilespmem:s23+$0xEBC0]  }
0x9a: {  	v4 =	vld [tilespmem:s23+$0x113C0];
	_ =	sdelay $0x1  }
0x9b: {  	v0 =	vmul.f32 v1, v0;
	v1 =	vmul.u32 $0x2780, v3;
	_ =	sdelay $0x1  }
0x9c: {  	v0 =	vsub.f32 $0.0e+00, v0;
	v1 =	vadd.s32 v5, v1;
	v3 =	vmul.u32 $0x2780, v2  }
0x9d: {  	[tilespmem:s23+$0x13BB0] =	vst v1  }
0x9e: {  	[tilespmem:s23+$0x16330] =	vst v0  }
0x9f: {  	v0 =	vld.idx.msk [tilespmem:v2+s16+$0x0], $0xffff  }
0xa0: {  	v2 =	vadd.s32 v4, v3;
	v1 =	vld.idx.msk [tilespmem:v4+s16+$0x0], $0xffff  }
0xa1: {  	[tilespmem:s23+$0x13BC0] =	vst v2;
	_ =	sdelay $0x1  }
0xa2: {  	v2 =	vld [tilespmem:s23+$0xEBD0]  }
0xa3: {  	v3 =	vld [tilespmem:s23+$0x113D0];
	_ =	sdelay $0x1  }
0xa4: {  	v0 =	vmul.f32 v1, v0;
	_ =	sdelay $0x1  }
0xa5: {  	v0 =	vsub.f32 $0.0e+00, v0;
	v1 =	vmul.u32 $0x2780, v2;
	_ =	sdelay $0x1  }
0xa6: {  	[tilespmem:s23+$0x16340] =	vst v0;
	v0 =	vadd.s32 v3, v1  }
0xa7: {  	v1 =	vld.idx.msk [tilespmem:v2+s16+$0x0], $0xffff  }
0xa8: {  	v2 =	vld.idx.msk [tilespmem:v3+s16+$0x0], $0xffff  }
0xa9: {  	[tilespmem:s23+$0x13BD0] =	vst v0;
	_ =	sdelay $0x1  }
0xaa: {  	v0 =	vld [tilespmem:s23+$0xEBE0]  }
0xab: {  	v3 =	vld [tilespmem:s23+$0x113E0];
	_ =	sdelay $0x1  }
0xac: {  	v1 =	vmul.f32 v2, v1;
	_ =	sdelay $0x1  }
0xad: {  	v1 =	vsub.f32 $0.0e+00, v1;
	_ =	sdelay $0x1  }
0xae: {  	[tilespmem:s23+$0x16350] =	vst v1;
	v1 =	vmul.u32 $0x2780, v0  }
0xaf: {  	v0 =	vld.idx.msk [tilespmem:v0+s16+$0x0], $0xffff  }
0xb0: {  	v2 =	vld.idx.msk [tilespmem:v3+s16+$0x0], $0xffff;
	v1 =	vadd.s32 v3, v1  }
0xb1: {  	[tilespmem:s23+$0x13BE0] =	vst v1;
	_ =	sdelay $0x1  }
0xb2: {  	v1 =	vld [tilespmem:s23+$0xEBF0]  }
0xb3: {  	v3 =	vld [tilespmem:s23+$0x113F0];
	_ =	sdelay $0x1  }
0xb4: {  	v0 =	vmul.f32 v2, v0;
	_ =	sdelay $0x1  }
0xb5: {  	v0 =	vsub.f32 $0.0e+00, v0;
	v2 =	vmul.u32 $0x2780, v1;
	_ =	sdelay $0x1  }
0xb6: {  	[tilespmem:s23+$0x16360] =	vst v0;
	v0 =	vadd.s32 v3, v2  }
0xb7: {  	v1 =	vld.idx.msk [tilespmem:v1+s16+$0x0], $0xffff  }
0xb8: {  	v2 =	vld.idx.msk [tilespmem:v3+s16+$0x0], $0xffff  }
0xb9: {  	[tilespmem:s23+$0x13BF0] =	vst v0  }
0xba: {  	v3 =	vld [tilespmem:s23+$0x11400]  }
0xbb: {  	v0 =	vld [tilespmem:s23+$0xEC00];
	_ =	sdelay $0x2  }
0xbc: {  	v1 =	vmul.f32 v2, v1;
	_ =	sdelay $0x1  }
0xbd: {  	v1 =	vsub.f32 $0.0e+00, v1;
	v2 =	vmul.u32 $0x2780, v0  }
.Ltmp1:
0xbe: {  	(pc) =	sbr.rel @p1 .LBB2_4-.Ltmp1, $4  }
0xbf: {  	[tilespmem:s23+$0x16370] =	vst v1  }
0xc0: {  	v0 =	vld.idx.msk [tilespmem:v0+s16+$0x0], $0xffff  }
0xc1: {  	v2 =	vadd.s32 v3, v2;
	v1 =	vld.idx.msk [tilespmem:v3+s16+$0x0], $0xffff  }
0xc2: {  	[tilespmem:s23+$0x13C00] =	vst v2  }
0xc3: {  	s24 =	sshra.s32 s24, $0x2  }
0xc4: {  	v2 =	vld [tilespmem:s24+$0xEB90]  }
0xc5: {  	v3 =	vld [tilespmem:s24+$0x11390];
	_ =	sdelay $0x1  }
0xc6: {  	v0 =	vmul.f32 v1, v0;
	_ =	sdelay $0x1  }
0xc7: {  	v0 =	vsub.f32 $0.0e+00, v0;
	_ =	sdelay $0x1  }
0xc8: {  	[tilespmem:s23+$0x16380] =	vst v0  }
0xc9: {  	v0 =	vld.idx.msk [tilespmem:v2+s16+$0x0], $0xffff  }
0xca: {  	v42 =	vld.idx.msk [tilespmem:v3+s16+$0x0], $0xffff;
	_ =	sdelay $0x1  }
0xcb: {  	v4 =	vld [tilespmem:s24+$0xEBA0]  }
0xcc: {  	v5 =	vld [tilespmem:s24+$0x113A0];
	_ =	sdelay $0x1  }
0xcd: {  	v2 =	vmul.u32 $0x2780, v2;
	v0 =	vmul.f32 v42, v0;
	_ =	sdelay $0x1  }
0xce: {  	v43 =	vadd.s32 v3, v2;
	v0 =	vsub.f32 $0.0e+00, v0  }
0xcf: {  	[tilespmem:s24+$0x13B90] =	vst v43  }
0xd0: {  	[tilespmem:s24+$0x16310] =	vst v0  }
0xd1: {  	v0 =	vld.idx.msk [tilespmem:v4+s16+$0x0], $0xffff  }
0xd2: {  	v1 =	vld.idx.msk [tilespmem:v5+s16+$0x0], $0xffff;
	_ =	sdelay $0x1  }
0xd3: {  	v44 =	vld [tilespmem:s24+$0xEBB0]  }
0xd4: {  	v45 =	vld [tilespmem:s24+$0x113B0];
	_ =	sdelay $0x1  }
0xd5: {  	v4 =	vmul.u32 $0x2780, v4;
	v0 =	vmul.f32 v1, v0;
	_ =	sdelay $0x1  }
0xd6: {  	v46 =	vadd.s32 v5, v4;
	v0 =	vsub.f32 $0.0e+00, v0  }
0xd7: {  	[tilespmem:s24+$0x13BA0] =	vst v46  }
0xd8: {  	[tilespmem:s24+$0x16320] =	vst v0  }
0xd9: {  	v0 =	vld.idx.msk [tilespmem:v44+s16+$0x0], $0xffff  }
0xda: {  	v1 =	vld.idx.msk [tilespmem:v45+s16+$0x0], $0xffff;
	_ =	sdelay $0x1  }
0xdb: {  	v47 =	vld [tilespmem:s24+$0xEBC0]  }
0xdc: {  	v48 =	vld [tilespmem:s24+$0x113C0];
	_ =	sdelay $0x1  }
0xdd: {  	v49 =	vmul.u32 $0x2780, v44;
	v0 =	vmul.f32 v1, v0;
	_ =	sdelay $0x1  }
0xde: {  	v1 =	vadd.s32 v45, v49;
	v0 =	vsub.f32 $0.0e+00, v0  }
0xdf: {  	[tilespmem:s24+$0x13BB0] =	vst v1  }
0xe0: {  	[tilespmem:s24+$0x16330] =	vst v0  }
0xe1: {  	v0 =	vld.idx.msk [tilespmem:v47+s16+$0x0], $0xffff  }
0xe2: {  	v1 =	vld.idx.msk [tilespmem:v48+s16+$0x0], $0xffff;
	_ =	sdelay $0x1  }
0xe3: {  	v50 =	vld [tilespmem:s24+$0xEBD0]  }
0xe4: {  	v51 =	vld [tilespmem:s24+$0x113D0];
	_ =	sdelay $0x1  }
0xe5: {  	v4 =	vmul.u32 $0x2780, v47;
	v0 =	vmul.f32 v1, v0;
	_ =	sdelay $0x1  }
0xe6: {  	v52 =	vadd.s32 v48, v4;
	v0 =	vsub.f32 $0.0e+00, v0  }
0xe7: {  	[tilespmem:s24+$0x13BC0] =	vst v52  }
0xe8: {  	[tilespmem:s24+$0x16340] =	vst v0  }
0xe9: {  	v0 =	vld.idx.msk [tilespmem:v50+s16+$0x0], $0xffff  }
0xea: {  	v1 =	vld.idx.msk [tilespmem:v51+s16+$0x0], $0xffff;
	_ =	sdelay $0x1  }
0xeb: {  	v53 =	vld [tilespmem:s24+$0xEBE0]  }
0xec: {  	v54 =	vld [tilespmem:s24+$0x113E0];
	_ =	sdelay $0x1  }
0xed: {  	v2 =	vmul.u32 $0x2780, v50;
	v0 =	vmul.f32 v1, v0;
	_ =	sdelay $0x1  }
0xee: {  	v55 =	vadd.s32 v51, v2;
	v0 =	vsub.f32 $0.0e+00, v0  }
0xef: {  	[tilespmem:s24+$0x13BD0] =	vst v55  }
0xf0: {  	[tilespmem:s24+$0x16350] =	vst v0  }
0xf1: {  	v0 =	vld.idx.msk [tilespmem:v53+s16+$0x0], $0xffff  }
0xf2: {  	v1 =	vld.idx.msk [tilespmem:v54+s16+$0x0], $0xffff;
	_ =	sdelay $0x1  }
0xf3: {  	v56 =	vld [tilespmem:s24+$0xEBF0]  }
0xf4: {  	v57 =	vld [tilespmem:s24+$0x113F0];
	_ =	sdelay $0x1  }
0xf5: {  	v4 =	vmul.u32 $0x2780, v53;
	v0 =	vmul.f32 v1, v0;
	_ =	sdelay $0x1  }
0xf6: {  	v58 =	vadd.s32 v54, v4;
	v0 =	vsub.f32 $0.0e+00, v0  }
0xf7: {  	[tilespmem:s24+$0x13BE0] =	vst v58  }
0xf8: {  	[tilespmem:s24+$0x16360] =	vst v0  }
0xf9: {  	v0 =	vld.idx.msk [tilespmem:v56+s16+$0x0], $0xffff  }
0xfa: {  	v1 =	vld.idx.msk [tilespmem:v57+s16+$0x0], $0xffff;
	_ =	sdelay $0x1  }
0xfb: {  	v59 =	vld [tilespmem:s24+$0xEC00]  }
0xfc: {  	v60 =	vld [tilespmem:s24+$0x11400];
	_ =	sdelay $0x1  }
0xfd: {  	v2 =	vmul.u32 $0x2780, v56;
	v0 =	vmul.f32 v1, v0;
	_ =	sdelay $0x1  }
0xfe: {  	v61 =	vadd.s32 v57, v2;
	v0 =	vsub.f32 $0.0e+00, v0  }
0xff: {  	[tilespmem:s24+$0x13BF0] =	vst v61  }
0x100: {  	[tilespmem:s24+$0x16370] =	vst v0  }
0x101: {  	v0 =	vld.idx.msk [tilespmem:v59+s16+$0x0], $0xffff  }
0x102: {  	v1 =	vld.idx.msk [tilespmem:v60+s16+$0x0], $0xffff;
	_ =	sdelay $0x4  }
0x103: {  	v62 =	vmul.u32 $0x2780, v59;
	v0 =	vmul.f32 v1, v0;
	_ =	sdelay $0x1  }
0x104: {  	s22 =	sadd.s32 $0x1, s22;
	v63 =	vadd.s32 v60, v62;
	v0 =	vsub.f32 $0.0e+00, v0  }
0x105: {  	p1 =	sne.s32 s22, s10;
	[tilespmem:s24+$0x13C00] =	vst v63  }
.Ltmp2:
0x106: {  	[tilespmem:s24+$0x16380] =	vst v0;
	(pc) =	sbr.rel @p1 .LBB2_1-.Ltmp2, $4  }
0x107: {  	[hbm4b:s1+s19] =	stream.indirect.scatter [tilespmem:s21], [sflag:$0x1], $0x1, s20, s19, $0xb8;
	[tilespmem:$0x18D78] =	vst v63  }
0x108: {  	_ =	swait.ge [sflag:s13], $0x2780  }
0x109: {  	[sflag:s13] =	ssyncset.done $0x0  }
0x10a: {  	[sflag:s13] =	ssyncadd.s32 $0xFFFFD880  }
0x10b: {  	_ =	sfence.sel $0x180000  }
0x10c: {  	[bflag:$0x0] =	sbarrier.arrive $0xFFFF  }
0x10d: {  	_ =	strace $0x90000047  }
0x10e: {  	s0 =	sadd.s32 @!p0 $0x100000, s0;
	[bflag:$0x2] =	sbarrier.arrive $0xFFFF  }
0x10f: {  	[sflag:s0] =	ssyncadd.tile.s32 @!p0 $0x1;
	_ =	shalt  }
.Lfunc_end2:
_tile_overlayer_lowered:
.L_overlay_start_2:
0x110: {  	(tag) =	ssettag $0x2  }
0x111: {  	s0 =	rddreg [dreg:$0x0];
	s2 =	stileid.u32  }
0x112: {  	s1 =	rddreg [dreg:$0x1];
	p0 =	sne.s32 s2, $0x0  }
0x113: {  	s3 =	rddreg [dreg:$0x2];
	[bflag:$0x3] =	sbarrier.arrive $0xFFFF;
	s2 =	simm.s32 @!p0 $0x1C01  }
0x114: {  	[timem:s3], [sflag:s2] =	dma.local @!p0 [hbm:s0], s1  }
0x115: {  	s0 =	simm.s32 @!p0 $0x1  }
0x116: {  	_ =	swait.ge @!p0 [sflag:s0], s1  }
0x117: {  	s1 =	ssub.s32 @!p0 $0x0, s1;
	[sflag:s0] =	ssyncset.done @!p0 $0x0  }
0x118: {  	[sflag:s0] =	ssyncadd.s32 @!p0 s1  }
0x119: {  	[bflag:$0x3] =	sbarrier.arrive $0xFFFF  }
0x11a: {  	_ =	shalt  }

</sc_bundles>
